<compile_context>
chip_gen: v7x
topology: tpu7x:2x2x1
jax: 0.10.2.dev20260603
libtpu: 0.0.44.dev20260713+nightly
codegen_flags: <defaults>
</compile_context>

<pallas_src>
import functools

import jax
import jax.numpy as jnp
from jax import lax
from jax.experimental import pallas as pl
from jax.experimental.pallas import tpu as pltpu
from jax.experimental.pallas import tpu_sc as plsc

NSEG = 512
DMID = 256
RA = 1280
NC, NS = 2, 16
NW = NC * NS
SEG_PER_W = NSEG // NW
CHUNK = 128
BUF = CHUNK + 8
LANE = 16

_LOG2E = 1.4426950408889634
_LN2 = 0.6931471805599453


def _softplus(x):
    t = jnp.exp2(-jnp.abs(x) * _LOG2E)
    return jnp.maximum(x, 0.0) + _LN2 * jnp.log2(1.0 + t)


def _count_body(ids_ref, ptr_ref):
    ids = ids_ref[...]
    lane = lax.broadcasted_iota(jnp.int32, (1, 128), 1)
    acc = jnp.zeros((1, 128), jnp.float32)
    for t in range(NW + 1):
        cnt = jnp.sum((ids < 16 * t).astype(jnp.float32))
        acc = acc + jnp.where(lane == t, cnt, 0.0)
    ptr_ref[...] = acc.astype(jnp.int32)


def _mlp_body(h_ref, w1_ref, b1_ref, y_ref):
    y_ref[...] = _softplus(
        jnp.dot(h_ref[...], w1_ref[...], preferred_element_type=jnp.float32)
        + b1_ref[...])


def _extract(vec, i):
    sel = jnp.where(lax.iota(jnp.int32, LANE) == i,
                    vec.astype(jnp.float32), 0.0)
    return jnp.sum(sel).astype(jnp.int32)


def _zeros16():
    return tuple(jnp.zeros((LANE,), jnp.float32) for _ in range(DMID // LANE))


def _segsum_body(y_hbm, b_hbm, ptr_hbm, out_hbm, ptr_v, idx_v, rows_v, acc_v,
                 *, n):
    c = lax.axis_index("c")
    s = lax.axis_index("s")
    w = c * NS + s
    seg0 = w * SEG_PER_W

    pltpu.sync_copy(ptr_hbm, ptr_v)
    pb = (w // 8) * 8
    pvec = ptr_v[pl.ds(pb, LANE)]
    lo = _extract(pvec, w - pb)
    hi = _extract(pvec, w - pb + 1)

    def zrow(i, _):
        def zcol(j, _):
            acc_v[i, pl.ds(j * LANE, LANE)] = jnp.zeros((LANE,), jnp.float32)
            return 0
        lax.fori_loop(0, DMID // LANE, zcol, 0)
        return 0
    lax.fori_loop(0, SEG_PER_W, zrow, 0)

    nch = lax.div(hi - lo + CHUNK - 1, CHUNK)

    def chunk_body(k, carry):
        cur, acc = carry
        base = lo + k * CHUNK
        base_c = jnp.minimum((base // 8) * 8, n - BUF)
        pltpu.sync_copy(y_hbm.at[pl.ds(base_c, BUF)], rows_v)
        pltpu.sync_copy(b_hbm.at[pl.ds(base_c, BUF)], idx_v)
        r0 = base - base_c
        r1 = r0 + jnp.minimum(hi - base, CHUNK)

        def row_body(r, rc):
            cur, acc = rc
            g = (r // LANE) * LANE
            seg = _extract(idx_v[pl.ds(g, LANE)], r - g)
            same = seg == cur

            @pl.when(jnp.logical_and(cur >= 0, jnp.logical_not(same)))
            def _flush():
                row = cur - seg0
                for j in range(DMID // LANE):
                    acc_v[row, pl.ds(j * LANE, LANE)] = acc[j]

            row = tuple(rows_v[r, pl.ds(j * LANE, LANE)]
                        for j in range(DMID // LANE))
            nacc = tuple(
                jnp.where(same, acc[j] + row[j], row[j])
                for j in range(DMID // LANE))
            return seg, nacc

        return lax.fori_loop(r0, r1, row_body, (cur, acc))

    cur, acc = lax.fori_loop(0, nch, chunk_body, (jnp.int32(-1), _zeros16()))

    @pl.when(cur >= 0)
    def _final_flush():
        row = cur - seg0
        for j in range(DMID // LANE):
            acc_v[row, pl.ds(j * LANE, LANE)] = acc[j]

    pltpu.sync_copy(acc_v, out_hbm.at[pl.ds(seg0, SEG_PER_W)])


def _tail_body(p_ref, w2_ref, b2_ref, w3_ref, b3_ref, out_ref):
    z = _softplus(p_ref[...])
    z = _softplus(
        jnp.dot(z, w2_ref[...], preferred_element_type=jnp.float32)
        + b2_ref[...])
    out_ref[...] = (
        jnp.dot(z, w3_ref[...], preferred_element_type=jnp.float32)
        + b3_ref[...])


def kernel(h, batch, W1, b1, W2, b2, W3, b3):
    n, dk = h.shape
    nblocks = n // RA
    batch32 = batch.astype(jnp.int32)

    ids_pad = jnp.pad(batch32, (0, (-n) % 1024), constant_values=2 ** 20)
    ids2d = ids_pad.reshape(-1, 128)
    ptr33 = pl.pallas_call(
        _count_body,
        grid=(1,),
        in_specs=[pl.BlockSpec(ids2d.shape, lambda i: (0, 0))],
        out_specs=pl.BlockSpec((1, 128), lambda i: (0, 0)),
        out_shape=jax.ShapeDtypeStruct((1, 128), jnp.int32),
    )(ids2d).reshape(128)

    y = pl.pallas_call(
        _mlp_body,
        grid=(nblocks,),
        in_specs=[
            pl.BlockSpec((RA, dk), lambda i: (i, 0)),
            pl.BlockSpec(W1.shape, lambda i: (0, 0)),
            pl.BlockSpec((1, DMID), lambda i: (0, 0)),
        ],
        out_specs=pl.BlockSpec((RA, DMID), lambda i: (i, 0)),
        out_shape=jax.ShapeDtypeStruct((n, DMID), jnp.float32),
    )(h, W1, b1.reshape(1, DMID))

    segsum = functools.partial(
        pl.kernel,
        mesh=plsc.VectorSubcoreMesh(core_axis_name="c", subcore_axis_name="s"),
        out_type=jax.ShapeDtypeStruct((NSEG, DMID), jnp.float32),
        scratch_types=[
            pltpu.VMEM((128,), jnp.int32),
            pltpu.VMEM((BUF,), jnp.int32),
            pltpu.VMEM((BUF, DMID), jnp.float32),
            pltpu.VMEM((SEG_PER_W, DMID), jnp.float32),
        ],
        compiler_params=pltpu.CompilerParams(needs_layout_passes=False),
    )(functools.partial(_segsum_body, n=n))
    seg = segsum(y, batch32, ptr33)

    out = pl.pallas_call(
        _tail_body,
        grid=(1,),
        in_specs=[
            pl.BlockSpec((NSEG, DMID), lambda i: (0, 0)),
            pl.BlockSpec(W2.shape, lambda i: (0, 0)),
            pl.BlockSpec((1, 64), lambda i: (0, 0)),
            pl.BlockSpec(W3.shape, lambda i: (0, 0)),
            pl.BlockSpec((1, 1), lambda i: (0, 0)),
        ],
        out_specs=pl.BlockSpec((NSEG, 1), lambda i: (0, 0)),
        out_shape=jax.ShapeDtypeStruct((NSEG, 1), jnp.float32),
    )(seg, W2, b2.reshape(1, 64), W3, b3.reshape(1, 1))
    return out

# --- scband reference (transcript-rebuilt; emitter-appended) ---
"""Pipeline reference for scband-general-read-out-layer-37194416783648 (READ-ONLY COPY).

The authoritative reference and input builder live on the scoring server;
editing this copy changes nothing except your own understanding.
"""

import jax, jax.numpy as jnp
import numpy as np

NUM_SEGMENTS = 512

def setup_inputs(seed: int = 0) -> dict:
    key = jax.random.key(seed)
    ks = jax.random.split(key, 9)
    h = jax.random.normal(ks[0], (320000, 128), dtype=jnp.float32)
    batch = jnp.sort(jax.random.randint(ks[1], (320000,), 0, NUM_SEGMENTS, dtype=jnp.int64))
    # Linear(128,256) in ro_seq1
    W1 = jax.random.normal(ks[2], (128, 256), dtype=jnp.float32) * (1.0 / np.sqrt(128))
    b1 = jax.random.normal(ks[3], (256,), dtype=jnp.float32) * 0.01
    # ro_seq2: Softplus, Linear(256,64), Softplus, Linear(64,1)
    W2 = jax.random.normal(ks[4], (256, 64), dtype=jnp.float32) * (1.0 / np.sqrt(256))
    b2 = jax.random.normal(ks[5], (64,), dtype=jnp.float32) * 0.01
    W3 = jax.random.normal(ks[6], (64, 1), dtype=jnp.float32) * (1.0 / np.sqrt(64))
    b3 = jax.random.normal(ks[7], (1,), dtype=jnp.float32) * 0.01
    return {"h": h, "batch": batch, "W1": W1, "b1": b1, "W2": W2, "b2": b2, "W3": W3, "b3": b3}

def reference(h, batch, W1, b1, W2, b2, W3, b3):
    # ro_seq1: Linear(128,256) + Softplus
    x = jax.nn.softplus(h @ W1 + b1)
    # segment_csr(h, get_ptr(batch), reduce='add') == segment_sum over sorted batch ids
    x = jax.ops.segment_sum(x, batch, num_segments=NUM_SEGMENTS)
    # ro_seq2: Softplus, Linear(256,64), Softplus, Linear(64,1)
    x = jax.nn.softplus(x)
    x = x @ W2 + b2
    x = jax.nn.softplus(x)
    x = x @ W3 + b3
    return x

if __name__ == "__main__":
    import jax
    _d = setup_inputs()
    print(jax.jit(kernel)(*tuple(_d.values())))

</pallas_src>

<mosaic_0001>
#map = affine_map<(d0, d1) -> (0, 0)>
#map1 = affine_map<(d0, d1) -> (0)>
module attributes {stable_mosaic.version = 14 : i64} {
  func.func @_segsum_body(%arg0: i32, %arg1: i32, %arg2: memref<320000x256xf32, #tpu.memory_space<hbm>>, %arg3: memref<320000xi32, #tpu.memory_space<hbm>>, %arg4: memref<128xi32, #tpu.memory_space<hbm>>, %arg5: memref<512x256xf32, #tpu.memory_space<hbm>>, %arg6: memref<128xi32, #tpu.memory_space<vmem>>, %arg7: memref<136xi32, #tpu.memory_space<vmem>>, %arg8: memref<136x256xf32, #tpu.memory_space<vmem>>, %arg9: memref<16x256xf32, #tpu.memory_space<vmem>>) attributes {dimension_semantics = [#tpu.dimension_semantics<core_parallel>, #tpu.dimension_semantics<subcore_parallel>], iteration_bounds = array<i64: 2, 16>, scalar_prefetch = 0 : i64, scratch_operands = 4 : i64, tpu.core_type = #tpu.core_type<sc_vector_subcore>, window_params = [{transform_indices = #map}, {transform_indices = #map1}, {transform_indices = #map1}, {transform_indices = #map}]} {
    %mul3A = arith.constant 16 : i32
    %mul3A_0 = arith.muli %arg0, %mul3A : i32
    %add3A = arith.addi %mul3A_0, %arg1 : i32
    %mul3A_1 = arith.constant 16 : i32
    %mul3A_2 = arith.muli %add3A, %mul3A_1 : i32
    "tpu.region"() ({
      %run_scoped3A = tpu.sem_alloc : memref<!tpu.dma_semaphore, #tpu.memory_space<semaphore_mem>>
      tpu.enqueue_dma source(%arg4 : memref<128xi32, #tpu.memory_space<hbm>>) target(%arg6 : memref<128xi32, #tpu.memory_space<vmem>>) target_semaphore(%run_scoped3A : memref<!tpu.dma_semaphore, #tpu.memory_space<semaphore_mem>>)
      tpu.wait_dma2 semaphore(%run_scoped3A : memref<!tpu.dma_semaphore, #tpu.memory_space<semaphore_mem>>) src(%arg4 : memref<128xi32, #tpu.memory_space<hbm>>) dst(%arg6 : memref<128xi32, #tpu.memory_space<vmem>>)
      tpu.yield
    }) : () -> ()
    %jit3A = arith.constant 8 : i32
    %div3A = arith.divsi %add3A, %jit3A : i32
    %sign3A = arith.constant 0 : i32
    %sign3A_3 = arith.cmpi sgt, %add3A, %sign3A : i32
    %sign3A_4 = arith.extui %sign3A_3 : i1 to i32
    %sign3A_5 = arith.constant 0 : i32
    %sign3A_6 = arith.cmpi slt, %add3A, %sign3A_5 : i32
    %sign3A_7 = arith.extui %sign3A_6 : i1 to i32
    %sign3A_8 = arith.subi %sign3A_4, %sign3A_7 : i32
    %sign3A_9 = arith.constant 0 : i32
    %sign3A_10 = arith.cmpi sgt, %jit3A, %sign3A_9 : i32
    %sign3A_11 = arith.extui %sign3A_10 : i1 to i32
    %sign3A_12 = arith.constant 0 : i32
    %sign3A_13 = arith.cmpi slt, %jit3A, %sign3A_12 : i32
    %sign3A_14 = arith.extui %sign3A_13 : i1 to i32
    %sign3A_15 = arith.subi %sign3A_11, %sign3A_14 : i32
    %ne3A = arith.cmpi ne, %sign3A_8, %sign3A_15 : i32
    %rem3A = arith.remsi %add3A, %jit3A : i32
    %ne3A_16 = arith.constant 0 : i32
    %ne3A_17 = arith.cmpi ne, %rem3A, %ne3A_16 : i32
    %and3A = arith.andi %ne3A, %ne3A_17 : i1
    %sub3A = arith.constant 1 : i32
    %sub3A_18 = arith.subi %div3A, %sub3A : i32
    %select_n3A = arith.select %and3A, %sub3A_18, %div3A : i32
    %mul3A_19 = arith.constant 8 : i32
    %mul3A_20 = arith.muli %select_n3A, %mul3A_19 : i32
    %get3A = arith.index_cast %mul3A_20 : i32 to index
    %get3A_21 = tpu.vector_load %arg6[%get3A] {strides = array<i32>} : memref<128xi32, #tpu.memory_space<vmem>>, vector<16xi32>,
    %sub3A_22 = arith.subi %add3A, %mul3A_20 : i32
    %iota3A = tpu.iota {dimensions = array<i32: 0>} : vector<16xi32>
    %eq3A = vector.broadcast %sub3A_22 : i32 to vector<16xi32>
    %eq3A_23 = arith.cmpi eq, %iota3A, %eq3A : vector<16xi32>
    %convert_element_type3A = arith.sitofp %get3A_21 : vector<16xi32> to vector<16xf32>
    %jit3A_24 = arith.constant 0.000000e+00 : f32
    %broadcast_in_dim3A = vector.broadcast %jit3A_24 : f32 to vector<16xf32>
    %select_n3A_25 = arith.select %eq3A_23, %convert_element_type3A, %broadcast_in_dim3A : vector<16xi1>, vector<16xf32>
    %reduce_sum3A = arith.constant true
    %reduce_sum3A_26 = vector.broadcast %reduce_sum3A : i1 to vector<16xi1>
    %reduce_sum3A_27 = tpu.scan <sum>, %select_n3A_25 masked %reduce_sum3A_26 : vector<16xf32>, vector<16xi1> -> vector<16xf32>
    %reduce_sum3A_28 = vector.extract %reduce_sum3A_27[15] : f32 from vector<16xf32>
    %convert_element_type3A_29 = arith.fptosi %reduce_sum3A_28 : f32 to i32
    %sub3A_30 = arith.subi %add3A, %mul3A_20 : i32
    %add3A_31 = arith.constant 1 : i32
    %add3A_32 = arith.addi %sub3A_30, %add3A_31 : i32
    %iota3A_33 = tpu.iota {dimensions = array<i32: 0>} : vector<16xi32>
    %eq3A_34 = vector.broadcast %add3A_32 : i32 to vector<16xi32>
    %eq3A_35 = arith.cmpi eq, %iota3A_33, %eq3A_34 : vector<16xi32>
    %convert_element_type3A_36 = arith.sitofp %get3A_21 : vector<16xi32> to vector<16xf32>
    %jit3A_37 = arith.constant 0.000000e+00 : f32
    %broadcast_in_dim3A_38 = vector.broadcast %jit3A_37 : f32 to vector<16xf32>
    %select_n3A_39 = arith.select %eq3A_35, %convert_element_type3A_36, %broadcast_in_dim3A_38 : vector<16xi1>, vector<16xf32>
    %reduce_sum3A_40 = arith.constant true
    %reduce_sum3A_41 = vector.broadcast %reduce_sum3A_40 : i1 to vector<16xi1>
    %reduce_sum3A_42 = tpu.scan <sum>, %select_n3A_39 masked %reduce_sum3A_41 : vector<16xf32>, vector<16xi1> -> vector<16xf32>
    %reduce_sum3A_43 = vector.extract %reduce_sum3A_42[15] : f32 from vector<16xf32>
    %convert_element_type3A_44 = arith.fptosi %reduce_sum3A_43 : f32 to i32
    %scan3A = arith.constant 0 : i32
    %scan3A_45 = arith.constant 0 : i32
    %scan3A_46 = arith.constant 16 : i32
    %scan3A_47 = arith.addi %scan3A_45, %scan3A_46 : i32
    %scan3A_48 = arith.constant 1 : i32
    %scan3A_49 = scf.for %scan3A_104 = %scan3A_45 to %scan3A_47 step %scan3A_48 iter_args(%scan3A_105 = %scan3A) -> (i32)  : i32 {
      %scan3A_106 = arith.constant 0 : i32
      %scan3A_107 = arith.constant 0 : i32
      %scan3A_108 = arith.constant 16 : i32
      %scan3A_109 = arith.addi %scan3A_107, %scan3A_108 : i32
      %scan3A_110 = arith.constant 1 : i32
      %scan3A_111 = scf.for %scan3A_114 = %scan3A_107 to %scan3A_109 step %scan3A_110 iter_args(%scan3A_115 = %scan3A_106) -> (i32)  : i32 {
        %broadcast_in_dim3A_116 = arith.constant 0.000000e+00 : f32
        %broadcast_in_dim3A_117 = vector.broadcast %broadcast_in_dim3A_116 : f32 to vector<16xf32>
        %mul3A_118 = arith.constant 16 : i32
        %mul3A_119 = arith.muli %scan3A_114, %mul3A_118 : i32
        %swap3A = arith.index_cast %scan3A_104 : i32 to index
        %swap3A_120 = arith.index_cast %mul3A_119 : i32 to index
        %swap3A_121 = tpu.vector_load %arg9[%swap3A, %swap3A_120] {strides = array<i32>} : memref<16x256xf32, #tpu.memory_space<vmem>>, vector<16xf32>,
        tpu.vector_store %arg9[%swap3A, %swap3A_120], %broadcast_in_dim3A_117 {strides = array<i32>} : memref<16x256xf32, #tpu.memory_space<vmem>>, vector<16xf32>,
        %scan3A_122 = arith.constant 0 : i32
        scf.yield %scan3A_122 : i32
      }
      %scan3A_112 = arith.constant 16 : i32
      %scan3A_113 = arith.constant 0 : i32
      scf.yield %scan3A_113 : i32
    }
    %scan3A_50 = arith.constant 16 : i32
    %sub3A_51 = arith.subi %convert_element_type3A_44, %convert_element_type3A_29 : i32
    %add3A_52 = arith.constant 128 : i32
    %add3A_53 = arith.addi %sub3A_51, %add3A_52 : i32
    %sub3A_54 = arith.constant 1 : i32
    %sub3A_55 = arith.subi %add3A_53, %sub3A_54 : i32
    %div3A_56 = arith.constant 128 : i32
    %div3A_57 = arith.divsi %sub3A_55, %div3A_56 : i32
    %broadcast_in_dim3A_58 = arith.constant 0.000000e+00 : f32
    %broadcast_in_dim3A_59 = vector.broadcast %broadcast_in_dim3A_58 : f32 to vector<16xf32>
    %broadcast_in_dim3A_60 = arith.constant 0.000000e+00 : f32
    %broadcast_in_dim3A_61 = vector.broadcast %broadcast_in_dim3A_60 : f32 to vector<16xf32>
    %broadcast_in_dim3A_62 = arith.constant 0.000000e+00 : f32
    %broadcast_in_dim3A_63 = vector.broadcast %broadcast_in_dim3A_62 : f32 to vector<16xf32>
    %broadcast_in_dim3A_64 = arith.constant 0.000000e+00 : f32
    %broadcast_in_dim3A_65 = vector.broadcast %broadcast_in_dim3A_64 : f32 to vector<16xf32>
    %broadcast_in_dim3A_66 = arith.constant 0.000000e+00 : f32
    %broadcast_in_dim3A_67 = vector.broadcast %broadcast_in_dim3A_66 : f32 to vector<16xf32>
    %broadcast_in_dim3A_68 = arith.constant 0.000000e+00 : f32
    %broadcast_in_dim3A_69 = vector.broadcast %broadcast_in_dim3A_68 : f32 to vector<16xf32>
    %broadcast_in_dim3A_70 = arith.constant 0.000000e+00 : f32
    %broadcast_in_dim3A_71 = vector.broadcast %broadcast_in_dim3A_70 : f32 to vector<16xf32>
    %broadcast_in_dim3A_72 = arith.constant 0.000000e+00 : f32
    %broadcast_in_dim3A_73 = vector.broadcast %broadcast_in_dim3A_72 : f32 to vector<16xf32>
    %broadcast_in_dim3A_74 = arith.constant 0.000000e+00 : f32
    %broadcast_in_dim3A_75 = vector.broadcast %broadcast_in_dim3A_74 : f32 to vector<16xf32>
    %broadcast_in_dim3A_76 = arith.constant 0.000000e+00 : f32
    %broadcast_in_dim3A_77 = vector.broadcast %broadcast_in_dim3A_76 : f32 to vector<16xf32>
    %broadcast_in_dim3A_78 = arith.constant 0.000000e+00 : f32
    %broadcast_in_dim3A_79 = vector.broadcast %broadcast_in_dim3A_78 : f32 to vector<16xf32>
    %broadcast_in_dim3A_80 = arith.constant 0.000000e+00 : f32
    %broadcast_in_dim3A_81 = vector.broadcast %broadcast_in_dim3A_80 : f32 to vector<16xf32>
    %broadcast_in_dim3A_82 = arith.constant 0.000000e+00 : f32
    %broadcast_in_dim3A_83 = vector.broadcast %broadcast_in_dim3A_82 : f32 to vector<16xf32>
    %broadcast_in_dim3A_84 = arith.constant 0.000000e+00 : f32
    %broadcast_in_dim3A_85 = vector.broadcast %broadcast_in_dim3A_84 : f32 to vector<16xf32>
    %broadcast_in_dim3A_86 = arith.constant 0.000000e+00 : f32
    %broadcast_in_dim3A_87 = vector.broadcast %broadcast_in_dim3A_86 : f32 to vector<16xf32>
    %broadcast_in_dim3A_88 = arith.constant 0.000000e+00 : f32
    %broadcast_in_dim3A_89 = vector.broadcast %broadcast_in_dim3A_88 : f32 to vector<16xf32>
    %while3A = arith.constant 0 : i32
    %while3A_90 = arith.constant -1 : i32
    %while3A_91 = arith.subi %div3A_57, %while3A : i32
    %while3A_92 = arith.addi %while3A, %while3A_91 : i32
    %while3A_93 = arith.constant 1 : i32
    %while3A_94 = arith.divsi %while3A_91, %while3A_93 : i32
    %while3A_95 = arith.muli %while3A_94, %while3A_93 : i32
    %while3A_96 = arith.addi %while3A, %while3A_95 : i32
    %while3A_97 = arith.constant 1 : i32
    %while3A_98:17 = scf.for %while3A_104 = %while3A to %while3A_96 step %while3A_97 iter_args(%while3A_105 = %while3A_90, %while3A_106 = %broadcast_in_dim3A_59, %while3A_107 = %broadcast_in_dim3A_61, %while3A_108 = %broadcast_in_dim3A_63, %while3A_109 = %broadcast_in_dim3A_65, %while3A_110 = %broadcast_in_dim3A_67, %while3A_111 = %broadcast_in_dim3A_69, %while3A_112 = %broadcast_in_dim3A_71, %while3A_113 = %broadcast_in_dim3A_73, %while3A_114 = %broadcast_in_dim3A_75, %while3A_115 = %broadcast_in_dim3A_77, %while3A_116 = %broadcast_in_dim3A_79, %while3A_117 = %broadcast_in_dim3A_81, %while3A_118 = %broadcast_in_dim3A_83, %while3A_119 = %broadcast_in_dim3A_85, %while3A_120 = %broadcast_in_dim3A_87, %while3A_121 = %broadcast_in_dim3A_89) -> (i32, vector<16xf32>, vector<16xf32>, vector<16xf32>, vector<16xf32>, vector<16xf32>, vector<16xf32>, vector<16xf32>, vector<16xf32>, vector<16xf32>, vector<16xf32>, vector<16xf32>, vector<16xf32>, vector<16xf32>, vector<16xf32>, vector<16xf32>, vector<16xf32>)  : i32 {
      %mul3A_122 = arith.constant 128 : i32
      %mul3A_123 = arith.muli %while3A_104, %mul3A_122 : i32
      %add3A_124 = arith.addi %convert_element_type3A_29, %mul3A_123 : i32
      %jit3A_125 = arith.constant 8 : i32
      %div3A_126 = arith.divsi %add3A_124, %jit3A_125 : i32
      %sign3A_127 = arith.constant 0 : i32
      %sign3A_128 = arith.cmpi sgt, %add3A_124, %sign3A_127 : i32
      %sign3A_129 = arith.extui %sign3A_128 : i1 to i32
      %sign3A_130 = arith.constant 0 : i32
      %sign3A_131 = arith.cmpi slt, %add3A_124, %sign3A_130 : i32
      %sign3A_132 = arith.extui %sign3A_131 : i1 to i32
      %sign3A_133 = arith.subi %sign3A_129, %sign3A_132 : i32
      %sign3A_134 = arith.constant 0 : i32
      %sign3A_135 = arith.cmpi sgt, %jit3A_125, %sign3A_134 : i32
      %sign3A_136 = arith.extui %sign3A_135 : i1 to i32
      %sign3A_137 = arith.constant 0 : i32
      %sign3A_138 = arith.cmpi slt, %jit3A_125, %sign3A_137 : i32
      %sign3A_139 = arith.extui %sign3A_138 : i1 to i32
      %sign3A_140 = arith.subi %sign3A_136, %sign3A_139 : i32
      %ne3A_141 = arith.cmpi ne, %sign3A_133, %sign3A_140 : i32
      %rem3A_142 = arith.remsi %add3A_124, %jit3A_125 : i32
      %ne3A_143 = arith.constant 0 : i32
      %ne3A_144 = arith.cmpi ne, %rem3A_142, %ne3A_143 : i32
      %and3A_145 = arith.andi %ne3A_141, %ne3A_144 : i1
      %sub3A_146 = arith.constant 1 : i32
      %sub3A_147 = arith.subi %div3A_126, %sub3A_146 : i32
      %select_n3A_148 = arith.select %and3A_145, %sub3A_147, %div3A_126 : i32
      %mul3A_149 = arith.constant 8 : i32
      %mul3A_150 = arith.muli %select_n3A_148, %mul3A_149 : i32
      %min3A = arith.constant 319864 : i32
      %min3A_151 = arith.minsi %mul3A_150, %min3A : i32
      "tpu.region"() ({
        %run_scoped3A = tpu.sem_alloc : memref<!tpu.dma_semaphore, #tpu.memory_space<semaphore_mem>>
        %dma_start3A = arith.constant 0 : i32
        %dma_start3A_167 = tpu.memref_slice %arg2[%min3A_151, %dma_start3A] : memref<320000x256xf32, #tpu.memory_space<hbm>> -> memref<136x256xf32, #tpu.memory_space<hbm>>
        %dma_start3A_168 = arith.constant 0 : i32
        %dma_start3A_169 = tpu.memref_slice %arg2[%min3A_151, %dma_start3A_168] : memref<320000x256xf32, #tpu.memory_space<hbm>> -> memref<136x256xf32, #tpu.memory_space<hbm>>
        tpu.enqueue_dma source(%dma_start3A_169 : memref<136x256xf32, #tpu.memory_space<hbm>>) target(%arg8 : memref<136x256xf32, #tpu.memory_space<vmem>>) target_semaphore(%run_scoped3A : memref<!tpu.dma_semaphore, #tpu.memory_space<semaphore_mem>>)
        %dma_wait3A = arith.constant 0 : i32
        %dma_wait3A_170 = tpu.memref_slice %arg2[%min3A_151, %dma_wait3A] : memref<320000x256xf32, #tpu.memory_space<hbm>> -> memref<136x256xf32, #tpu.memory_space<hbm>>
        %dma_wait3A_171 = arith.constant 0 : i32
        %dma_wait3A_172 = tpu.memref_slice %arg2[%min3A_151, %dma_wait3A_171] : memref<320000x256xf32, #tpu.memory_space<hbm>> -> memref<136x256xf32, #tpu.memory_space<hbm>>
        tpu.wait_dma2 semaphore(%run_scoped3A : memref<!tpu.dma_semaphore, #tpu.memory_space<semaphore_mem>>) src(%dma_wait3A_172 : memref<136x256xf32, #tpu.memory_space<hbm>>) dst(%arg8 : memref<136x256xf32, #tpu.memory_space<vmem>>)
        tpu.yield
      }) : () -> ()
      "tpu.region"() ({
        %run_scoped3A = tpu.sem_alloc : memref<!tpu.dma_semaphore, #tpu.memory_space<semaphore_mem>>
        %dma_start3A = tpu.memref_slice %arg3[%min3A_151] : memref<320000xi32, #tpu.memory_space<hbm>> -> memref<136xi32, #tpu.memory_space<hbm>>
        %dma_start3A_167 = tpu.memref_slice %arg3[%min3A_151] : memref<320000xi32, #tpu.memory_space<hbm>> -> memref<136xi32, #tpu.memory_space<hbm>>
        tpu.enqueue_dma source(%dma_start3A_167 : memref<136xi32, #tpu.memory_space<hbm>>) target(%arg7 : memref<136xi32, #tpu.memory_space<vmem>>) target_semaphore(%run_scoped3A : memref<!tpu.dma_semaphore, #tpu.memory_space<semaphore_mem>>)
        %dma_wait3A = tpu.memref_slice %arg3[%min3A_151] : memref<320000xi32, #tpu.memory_space<hbm>> -> memref<136xi32, #tpu.memory_space<hbm>>
        %dma_wait3A_168 = tpu.memref_slice %arg3[%min3A_151] : memref<320000xi32, #tpu.memory_space<hbm>> -> memref<136xi32, #tpu.memory_space<hbm>>
        tpu.wait_dma2 semaphore(%run_scoped3A : memref<!tpu.dma_semaphore, #tpu.memory_space<semaphore_mem>>) src(%dma_wait3A_168 : memref<136xi32, #tpu.memory_space<hbm>>) dst(%arg7 : memref<136xi32, #tpu.memory_space<vmem>>)
        tpu.yield
      }) : () -> ()
      %sub3A_152 = arith.subi %add3A_124, %min3A_151 : i32
      %sub3A_153 = arith.subi %convert_element_type3A_44, %add3A_124 : i32
      %min3A_154 = arith.constant 128 : i32
      %min3A_155 = arith.minsi %sub3A_153, %min3A_154 : i32
      %add3A_156 = arith.addi %sub3A_152, %min3A_155 : i32
      %while3A_157 = arith.subi %add3A_156, %sub3A_152 : i32
      %while3A_158 = arith.addi %sub3A_152, %while3A_157 : i32
      %while3A_159 = arith.constant 1 : i32
      %while3A_160 = arith.divsi %while3A_157, %while3A_159 : i32
      %while3A_161 = arith.muli %while3A_160, %while3A_159 : i32
      %while3A_162 = arith.addi %sub3A_152, %while3A_161 : i32
      %while3A_163 = arith.constant 1 : i32
      %while3A_164:17 = scf.for %while3A_167 = %sub3A_152 to %while3A_162 step %while3A_163 iter_args(%while3A_168 = %while3A_105, %while3A_169 = %while3A_106, %while3A_170 = %while3A_107, %while3A_171 = %while3A_108, %while3A_172 = %while3A_109, %while3A_173 = %while3A_110, %while3A_174 = %while3A_111, %while3A_175 = %while3A_112, %while3A_176 = %while3A_113, %while3A_177 = %while3A_114, %while3A_178 = %while3A_115, %while3A_179 = %while3A_116, %while3A_180 = %while3A_117, %while3A_181 = %while3A_118, %while3A_182 = %while3A_119, %while3A_183 = %while3A_120, %while3A_184 = %while3A_121) -> (i32, vector<16xf32>, vector<16xf32>, vector<16xf32>, vector<16xf32>, vector<16xf32>, vector<16xf32>, vector<16xf32>, vector<16xf32>, vector<16xf32>, vector<16xf32>, vector<16xf32>, vector<16xf32>, vector<16xf32>, vector<16xf32>, vector<16xf32>, vector<16xf32>)  : i32 {
        %jit3A_185 = arith.constant 16 : i32
        %div3A_186 = arith.divsi %while3A_167, %jit3A_185 : i32
        %sign3A_187 = arith.constant 0 : i32
        %sign3A_188 = arith.cmpi sgt, %while3A_167, %sign3A_187 : i32
        %sign3A_189 = arith.extui %sign3A_188 : i1 to i32
        %sign3A_190 = arith.constant 0 : i32
        %sign3A_191 = arith.cmpi slt, %while3A_167, %sign3A_190 : i32
        %sign3A_192 = arith.extui %sign3A_191 : i1 to i32
        %sign3A_193 = arith.subi %sign3A_189, %sign3A_192 : i32
        %sign3A_194 = arith.constant 0 : i32
        %sign3A_195 = arith.cmpi sgt, %jit3A_185, %sign3A_194 : i32
        %sign3A_196 = arith.extui %sign3A_195 : i1 to i32
        %sign3A_197 = arith.constant 0 : i32
        %sign3A_198 = arith.cmpi slt, %jit3A_185, %sign3A_197 : i32
        %sign3A_199 = arith.extui %sign3A_198 : i1 to i32
        %sign3A_200 = arith.subi %sign3A_196, %sign3A_199 : i32
        %ne3A_201 = arith.cmpi ne, %sign3A_193, %sign3A_200 : i32
        %rem3A_202 = arith.remsi %while3A_167, %jit3A_185 : i32
        %ne3A_203 = arith.constant 0 : i32
        %ne3A_204 = arith.cmpi ne, %rem3A_202, %ne3A_203 : i32
        %and3A_205 = arith.andi %ne3A_201, %ne3A_204 : i1
        %sub3A_206 = arith.constant 1 : i32
        %sub3A_207 = arith.subi %div3A_186, %sub3A_206 : i32
        %select_n3A_208 = arith.select %and3A_205, %sub3A_207, %div3A_186 : i32
        %mul3A_209 = arith.constant 16 : i32
        %mul3A_210 = arith.muli %select_n3A_208, %mul3A_209 : i32
        %get3A_211 = arith.index_cast %mul3A_210 : i32 to index
        %get3A_212 = tpu.vector_load %arg7[%get3A_211] {strides = array<i32>} : memref<136xi32, #tpu.memory_space<vmem>>, vector<16xi32>,
        %sub3A_213 = arith.subi %while3A_167, %mul3A_210 : i32
        %iota3A_214 = tpu.iota {dimensions = array<i32: 0>} : vector<16xi32>
        %eq3A_215 = vector.broadcast %sub3A_213 : i32 to vector<16xi32>
        %eq3A_216 = arith.cmpi eq, %iota3A_214, %eq3A_215 : vector<16xi32>
        %convert_element_type3A_217 = arith.sitofp %get3A_212 : vector<16xi32> to vector<16xf32>
        %jit3A_218 = arith.constant 0.000000e+00 : f32
        %broadcast_in_dim3A_219 = vector.broadcast %jit3A_218 : f32 to vector<16xf32>
        %select_n3A_220 = arith.select %eq3A_216, %convert_element_type3A_217, %broadcast_in_dim3A_219 : vector<16xi1>, vector<16xf32>
        %reduce_sum3A_221 = arith.constant true
        %reduce_sum3A_222 = vector.broadcast %reduce_sum3A_221 : i1 to vector<16xi1>
        %reduce_sum3A_223 = tpu.scan <sum>, %select_n3A_220 masked %reduce_sum3A_222 : vector<16xf32>, vector<16xi1> -> vector<16xf32>
        %reduce_sum3A_224 = vector.extract %reduce_sum3A_223[15] : f32 from vector<16xf32>
        %convert_element_type3A_225 = arith.fptosi %reduce_sum3A_224 : f32 to i32
        %eq3A_226 = arith.cmpi eq, %convert_element_type3A_225, %while3A_168 : i32
        %ge3A_227 = arith.constant 0 : i32
        %ge3A_228 = arith.cmpi sge, %while3A_168, %ge3A_227 : i32
        %not3A = arith.constant true
        %not3A_229 = arith.xori %eq3A_226, %not3A : i1
        %and3A_230 = arith.andi %ge3A_228, %not3A_229 : i1
        %convert_element_type3A_231 = arith.extui %and3A_230 : i1 to i32
        %cond3A_232 = arith.constant 0 : i32
        %cond3A_233 = arith.cmpi ne, %convert_element_type3A_231, %cond3A_232 : i32
        scf.if %cond3A_233 {
          %sub3A_314 = arith.subi %while3A_168, %mul3A_2 : i32
          %swap3A = arith.index_cast %sub3A_314 : i32 to index
          %swap3A_315 = arith.constant 0 : index
          %swap3A_316 = tpu.vector_load %arg9[%swap3A, %swap3A_315] {strides = array<i32>} : memref<16x256xf32, #tpu.memory_space<vmem>>, vector<16xf32>,
          tpu.vector_store %arg9[%swap3A, %swap3A_315], %while3A_169 {strides = array<i32>} : memref<16x256xf32, #tpu.memory_space<vmem>>, vector<16xf32>,
          %swap3A_317 = arith.index_cast %sub3A_314 : i32 to index
          %swap3A_318 = arith.constant 16 : index
          %swap3A_319 = tpu.vector_load %arg9[%swap3A_317, %swap3A_318] {strides = array<i32>} : memref<16x256xf32, #tpu.memory_space<vmem>>, vector<16xf32>,
          tpu.vector_store %arg9[%swap3A_317, %swap3A_318], %while3A_170 {strides = array<i32>} : memref<16x256xf32, #tpu.memory_space<vmem>>, vector<16xf32>,
          %swap3A_320 = arith.index_cast %sub3A_314 : i32 to index
          %swap3A_321 = arith.constant 32 : index
          %swap3A_322 = tpu.vector_load %arg9[%swap3A_320, %swap3A_321] {strides = array<i32>} : memref<16x256xf32, #tpu.memory_space<vmem>>, vector<16xf32>,
          tpu.vector_store %arg9[%swap3A_320, %swap3A_321], %while3A_171 {strides = array<i32>} : memref<16x256xf32, #tpu.memory_space<vmem>>, vector<16xf32>,
          %swap3A_323 = arith.index_cast %sub3A_314 : i32 to index
          %swap3A_324 = arith.constant 48 : index
          %swap3A_325 = tpu.vector_load %arg9[%swap3A_323, %swap3A_324] {strides = array<i32>} : memref<16x256xf32, #tpu.memory_space<vmem>>, vector<16xf32>,
          tpu.vector_store %arg9[%swap3A_323, %swap3A_324], %while3A_172 {strides = array<i32>} : memref<16x256xf32, #tpu.memory_space<vmem>>, vector<16xf32>,
          %swap3A_326 = arith.index_cast %sub3A_314 : i32 to index
          %swap3A_327 = arith.constant 64 : index
          %swap3A_328 = tpu.vector_load %arg9[%swap3A_326, %swap3A_327] {strides = array<i32>} : memref<16x256xf32, #tpu.memory_space<vmem>>, vector<16xf32>,
          tpu.vector_store %arg9[%swap3A_326, %swap3A_327], %while3A_173 {strides = array<i32>} : memref<16x256xf32, #tpu.memory_space<vmem>>, vector<16xf32>,
          %swap3A_329 = arith.index_cast %sub3A_314 : i32 to index
          %swap3A_330 = arith.constant 80 : index
          %swap3A_331 = tpu.vector_load %arg9[%swap3A_329, %swap3A_330] {strides = array<i32>} : memref<16x256xf32, #tpu.memory_space<vmem>>, vector<16xf32>,
          tpu.vector_store %arg9[%swap3A_329, %swap3A_330], %while3A_174 {strides = array<i32>} : memref<16x256xf32, #tpu.memory_space<vmem>>, vector<16xf32>,
          %swap3A_332 = arith.index_cast %sub3A_314 : i32 to index
          %swap3A_333 = arith.constant 96 : index
          %swap3A_334 = tpu.vector_load %arg9[%swap3A_332, %swap3A_333] {strides = array<i32>} : memref<16x256xf32, #tpu.memory_space<vmem>>, vector<16xf32>,
          tpu.vector_store %arg9[%swap3A_332, %swap3A_333], %while3A_175 {strides = array<i32>} : memref<16x256xf32, #tpu.memory_space<vmem>>, vector<16xf32>,
          %swap3A_335 = arith.index_cast %sub3A_314 : i32 to index
          %swap3A_336 = arith.constant 112 : index
          %swap3A_337 = tpu.vector_load %arg9[%swap3A_335, %swap3A_336] {strides = array<i32>} : memref<16x256xf32, #tpu.memory_space<vmem>>, vector<16xf32>,
          tpu.vector_store %arg9[%swap3A_335, %swap3A_336], %while3A_176 {strides = array<i32>} : memref<16x256xf32, #tpu.memory_space<vmem>>, vector<16xf32>,
          %swap3A_338 = arith.index_cast %sub3A_314 : i32 to index
          %swap3A_339 = arith.constant 128 : index
          %swap3A_340 = tpu.vector_load %arg9[%swap3A_338, %swap3A_339] {strides = array<i32>} : memref<16x256xf32, #tpu.memory_space<vmem>>, vector<16xf32>,
          tpu.vector_store %arg9[%swap3A_338, %swap3A_339], %while3A_177 {strides = array<i32>} : memref<16x256xf32, #tpu.memory_space<vmem>>, vector<16xf32>,
          %swap3A_341 = arith.index_cast %sub3A_314 : i32 to index
          %swap3A_342 = arith.constant 144 : index
          %swap3A_343 = tpu.vector_load %arg9[%swap3A_341, %swap3A_342] {strides = array<i32>} : memref<16x256xf32, #tpu.memory_space<vmem>>, vector<16xf32>,
          tpu.vector_store %arg9[%swap3A_341, %swap3A_342], %while3A_178 {strides = array<i32>} : memref<16x256xf32, #tpu.memory_space<vmem>>, vector<16xf32>,
          %swap3A_344 = arith.index_cast %sub3A_314 : i32 to index
          %swap3A_345 = arith.constant 160 : index
          %swap3A_346 = tpu.vector_load %arg9[%swap3A_344, %swap3A_345] {strides = array<i32>} : memref<16x256xf32, #tpu.memory_space<vmem>>, vector<16xf32>,
          tpu.vector_store %arg9[%swap3A_344, %swap3A_345], %while3A_179 {strides = array<i32>} : memref<16x256xf32, #tpu.memory_space<vmem>>, vector<16xf32>,
          %swap3A_347 = arith.index_cast %sub3A_314 : i32 to index
          %swap3A_348 = arith.constant 176 : index
          %swap3A_349 = tpu.vector_load %arg9[%swap3A_347, %swap3A_348] {strides = array<i32>} : memref<16x256xf32, #tpu.memory_space<vmem>>, vector<16xf32>,
          tpu.vector_store %arg9[%swap3A_347, %swap3A_348], %while3A_180 {strides = array<i32>} : memref<16x256xf32, #tpu.memory_space<vmem>>, vector<16xf32>,
          %swap3A_350 = arith.index_cast %sub3A_314 : i32 to index
          %swap3A_351 = arith.constant 192 : index
          %swap3A_352 = tpu.vector_load %arg9[%swap3A_350, %swap3A_351] {strides = array<i32>} : memref<16x256xf32, #tpu.memory_space<vmem>>, vector<16xf32>,
          tpu.vector_store %arg9[%swap3A_350, %swap3A_351], %while3A_181 {strides = array<i32>} : memref<16x256xf32, #tpu.memory_space<vmem>>, vector<16xf32>,
          %swap3A_353 = arith.index_cast %sub3A_314 : i32 to index
          %swap3A_354 = arith.constant 208 : index
          %swap3A_355 = tpu.vector_load %arg9[%swap3A_353, %swap3A_354] {strides = array<i32>} : memref<16x256xf32, #tpu.memory_space<vmem>>, vector<16xf32>,
          tpu.vector_store %arg9[%swap3A_353, %swap3A_354], %while3A_182 {strides = array<i32>} : memref<16x256xf32, #tpu.memory_space<vmem>>, vector<16xf32>,
          %swap3A_356 = arith.index_cast %sub3A_314 : i32 to index
          %swap3A_357 = arith.constant 224 : index
          %swap3A_358 = tpu.vector_load %arg9[%swap3A_356, %swap3A_357] {strides = array<i32>} : memref<16x256xf32, #tpu.memory_space<vmem>>, vector<16xf32>,
          tpu.vector_store %arg9[%swap3A_356, %swap3A_357], %while3A_183 {strides = array<i32>} : memref<16x256xf32, #tpu.memory_space<vmem>>, vector<16xf32>,
          %swap3A_359 = arith.index_cast %sub3A_314 : i32 to index
          %swap3A_360 = arith.constant 240 : index
          %swap3A_361 = tpu.vector_load %arg9[%swap3A_359, %swap3A_360] {strides = array<i32>} : memref<16x256xf32, #tpu.memory_space<vmem>>, vector<16xf32>,
          tpu.vector_store %arg9[%swap3A_359, %swap3A_360], %while3A_184 {strides = array<i32>} : memref<16x256xf32, #tpu.memory_space<vmem>>, vector<16xf32>,
        } else {
        }
        %get3A_234 = arith.index_cast %while3A_167 : i32 to index
        %get3A_235 = arith.constant 0 : index
        %get3A_236 = tpu.vector_load %arg8[%get3A_234, %get3A_235] {strides = array<i32>} : memref<136x256xf32, #tpu.memory_space<vmem>>, vector<16xf32>,
        %get3A_237 = arith.index_cast %while3A_167 : i32 to index
        %get3A_238 = arith.constant 16 : index
        %get3A_239 = tpu.vector_load %arg8[%get3A_237, %get3A_238] {strides = array<i32>} : memref<136x256xf32, #tpu.memory_space<vmem>>, vector<16xf32>,
        %get3A_240 = arith.index_cast %while3A_167 : i32 to index
        %get3A_241 = arith.constant 32 : index
        %get3A_242 = tpu.vector_load %arg8[%get3A_240, %get3A_241] {strides = array<i32>} : memref<136x256xf32, #tpu.memory_space<vmem>>, vector<16xf32>,
        %get3A_243 = arith.index_cast %while3A_167 : i32 to index
        %get3A_244 = arith.constant 48 : index
        %get3A_245 = tpu.vector_load %arg8[%get3A_243, %get3A_244] {strides = array<i32>} : memref<136x256xf32, #tpu.memory_space<vmem>>, vector<16xf32>,
        %get3A_246 = arith.index_cast %while3A_167 : i32 to index
        %get3A_247 = arith.constant 64 : index
        %get3A_248 = tpu.vector_load %arg8[%get3A_246, %get3A_247] {strides = array<i32>} : memref<136x256xf32, #tpu.memory_space<vmem>>, vector<16xf32>,
        %get3A_249 = arith.index_cast %while3A_167 : i32 to index
        %get3A_250 = arith.constant 80 : index
        %get3A_251 = tpu.vector_load %arg8[%get3A_249, %get3A_250] {strides = array<i32>} : memref<136x256xf32, #tpu.memory_space<vmem>>, vector<16xf32>,
        %get3A_252 = arith.index_cast %while3A_167 : i32 to index
        %get3A_253 = arith.constant 96 : index
        %get3A_254 = tpu.vector_load %arg8[%get3A_252, %get3A_253] {strides = array<i32>} : memref<136x256xf32, #tpu.memory_space<vmem>>, vector<16xf32>,
        %get3A_255 = arith.index_cast %while3A_167 : i32 to index
        %get3A_256 = arith.constant 112 : index
        %get3A_257 = tpu.vector_load %arg8[%get3A_255, %get3A_256] {strides = array<i32>} : memref<136x256xf32, #tpu.memory_space<vmem>>, vector<16xf32>,
        %get3A_258 = arith.index_cast %while3A_167 : i32 to index
        %get3A_259 = arith.constant 128 : index
        %get3A_260 = tpu.vector_load %arg8[%get3A_258, %get3A_259] {strides = array<i32>} : memref<136x256xf32, #tpu.memory_space<vmem>>, vector<16xf32>,
        %get3A_261 = arith.index_cast %while3A_167 : i32 to index
        %get3A_262 = arith.constant 144 : index
        %get3A_263 = tpu.vector_load %arg8[%get3A_261, %get3A_262] {strides = array<i32>} : memref<136x256xf32, #tpu.memory_space<vmem>>, vector<16xf32>,
        %get3A_264 = arith.index_cast %while3A_167 : i32 to index
        %get3A_265 = arith.constant 160 : index
        %get3A_266 = tpu.vector_load %arg8[%get3A_264, %get3A_265] {strides = array<i32>} : memref<136x256xf32, #tpu.memory_space<vmem>>, vector<16xf32>,
        %get3A_267 = arith.index_cast %while3A_167 : i32 to index
        %get3A_268 = arith.constant 176 : index
        %get3A_269 = tpu.vector_load %arg8[%get3A_267, %get3A_268] {strides = array<i32>} : memref<136x256xf32, #tpu.memory_space<vmem>>, vector<16xf32>,
        %get3A_270 = arith.index_cast %while3A_167 : i32 to index
        %get3A_271 = arith.constant 192 : index
        %get3A_272 = tpu.vector_load %arg8[%get3A_270, %get3A_271] {strides = array<i32>} : memref<136x256xf32, #tpu.memory_space<vmem>>, vector<16xf32>,
        %get3A_273 = arith.index_cast %while3A_167 : i32 to index
        %get3A_274 = arith.constant 208 : index
        %get3A_275 = tpu.vector_load %arg8[%get3A_273, %get3A_274] {strides = array<i32>} : memref<136x256xf32, #tpu.memory_space<vmem>>, vector<16xf32>,
        %get3A_276 = arith.index_cast %while3A_167 : i32 to index
        %get3A_277 = arith.constant 224 : index
        %get3A_278 = tpu.vector_load %arg8[%get3A_276, %get3A_277] {strides = array<i32>} : memref<136x256xf32, #tpu.memory_space<vmem>>, vector<16xf32>,
        %get3A_279 = arith.index_cast %while3A_167 : i32 to index
        %get3A_280 = arith.constant 240 : index
        %get3A_281 = tpu.vector_load %arg8[%get3A_279, %get3A_280] {strides = array<i32>} : memref<136x256xf32, #tpu.memory_space<vmem>>, vector<16xf32>,
        %add3A_282 = arith.addf %while3A_169, %get3A_236 : vector<16xf32>
        %select_n3A_283 = arith.select %eq3A_226, %add3A_282, %get3A_236 : vector<16xf32>
        %add3A_284 = arith.addf %while3A_170, %get3A_239 : vector<16xf32>
        %select_n3A_285 = arith.select %eq3A_226, %add3A_284, %get3A_239 : vector<16xf32>
        %add3A_286 = arith.addf %while3A_171, %get3A_242 : vector<16xf32>
        %select_n3A_287 = arith.select %eq3A_226, %add3A_286, %get3A_242 : vector<16xf32>
        %add3A_288 = arith.addf %while3A_172, %get3A_245 : vector<16xf32>
        %select_n3A_289 = arith.select %eq3A_226, %add3A_288, %get3A_245 : vector<16xf32>
        %add3A_290 = arith.addf %while3A_173, %get3A_248 : vector<16xf32>
        %select_n3A_291 = arith.select %eq3A_226, %add3A_290, %get3A_248 : vector<16xf32>
        %add3A_292 = arith.addf %while3A_174, %get3A_251 : vector<16xf32>
        %select_n3A_293 = arith.select %eq3A_226, %add3A_292, %get3A_251 : vector<16xf32>
        %add3A_294 = arith.addf %while3A_175, %get3A_254 : vector<16xf32>
        %select_n3A_295 = arith.select %eq3A_226, %add3A_294, %get3A_254 : vector<16xf32>
        %add3A_296 = arith.addf %while3A_176, %get3A_257 : vector<16xf32>
        %select_n3A_297 = arith.select %eq3A_226, %add3A_296, %get3A_257 : vector<16xf32>
        %add3A_298 = arith.addf %while3A_177, %get3A_260 : vector<16xf32>
        %select_n3A_299 = arith.select %eq3A_226, %add3A_298, %get3A_260 : vector<16xf32>
        %add3A_300 = arith.addf %while3A_178, %get3A_263 : vector<16xf32>
        %select_n3A_301 = arith.select %eq3A_226, %add3A_300, %get3A_263 : vector<16xf32>
        %add3A_302 = arith.addf %while3A_179, %get3A_266 : vector<16xf32>
        %select_n3A_303 = arith.select %eq3A_226, %add3A_302, %get3A_266 : vector<16xf32>
        %add3A_304 = arith.addf %while3A_180, %get3A_269 : vector<16xf32>
        %select_n3A_305 = arith.select %eq3A_226, %add3A_304, %get3A_269 : vector<16xf32>
        %add3A_306 = arith.addf %while3A_181, %get3A_272 : vector<16xf32>
        %select_n3A_307 = arith.select %eq3A_226, %add3A_306, %get3A_272 : vector<16xf32>
        %add3A_308 = arith.addf %while3A_182, %get3A_275 : vector<16xf32>
        %select_n3A_309 = arith.select %eq3A_226, %add3A_308, %get3A_275 : vector<16xf32>
        %add3A_310 = arith.addf %while3A_183, %get3A_278 : vector<16xf32>
        %select_n3A_311 = arith.select %eq3A_226, %add3A_310, %get3A_278 : vector<16xf32>
        %add3A_312 = arith.addf %while3A_184, %get3A_281 : vector<16xf32>
        %select_n3A_313 = arith.select %eq3A_226, %add3A_312, %get3A_281 : vector<16xf32>
        scf.yield %convert_element_type3A_225, %select_n3A_283, %select_n3A_285, %select_n3A_287, %select_n3A_289, %select_n3A_291, %select_n3A_293, %select_n3A_295, %select_n3A_297, %select_n3A_299, %select_n3A_301, %select_n3A_303, %select_n3A_305, %select_n3A_307, %select_n3A_309, %select_n3A_311, %select_n3A_313 : i32, vector<16xf32>, vector<16xf32>, vector<16xf32>, vector<16xf32>, vector<16xf32>, vector<16xf32>, vector<16xf32>, vector<16xf32>, vector<16xf32>, vector<16xf32>, vector<16xf32>, vector<16xf32>, vector<16xf32>, vector<16xf32>, vector<16xf32>, vector<16xf32>
      }
      %while3A_165 = arith.constant 1 : i32
      %while3A_166:17 = scf.for %while3A_167 = %while3A_162 to %while3A_158 step %while3A_165 iter_args(%while3A_168 = %while3A_164#0, %while3A_169 = %while3A_164#1, %while3A_170 = %while3A_164#2, %while3A_171 = %while3A_164#3, %while3A_172 = %while3A_164#4, %while3A_173 = %while3A_164#5, %while3A_174 = %while3A_164#6, %while3A_175 = %while3A_164#7, %while3A_176 = %while3A_164#8, %while3A_177 = %while3A_164#9, %while3A_178 = %while3A_164#10, %while3A_179 = %while3A_164#11, %while3A_180 = %while3A_164#12, %while3A_181 = %while3A_164#13, %while3A_182 = %while3A_164#14, %while3A_183 = %while3A_164#15, %while3A_184 = %while3A_164#16) -> (i32, vector<16xf32>, vector<16xf32>, vector<16xf32>, vector<16xf32>, vector<16xf32>, vector<16xf32>, vector<16xf32>, vector<16xf32>, vector<16xf32>, vector<16xf32>, vector<16xf32>, vector<16xf32>, vector<16xf32>, vector<16xf32>, vector<16xf32>, vector<16xf32>)  : i32 {
        %jit3A_185 = arith.constant 16 : i32
        %div3A_186 = arith.divsi %while3A_167, %jit3A_185 : i32
        %sign3A_187 = arith.constant 0 : i32
        %sign3A_188 = arith.cmpi sgt, %while3A_167, %sign3A_187 : i32
        %sign3A_189 = arith.extui %sign3A_188 : i1 to i32
        %sign3A_190 = arith.constant 0 : i32
        %sign3A_191 = arith.cmpi slt, %while3A_167, %sign3A_190 : i32
        %sign3A_192 = arith.extui %sign3A_191 : i1 to i32
        %sign3A_193 = arith.subi %sign3A_189, %sign3A_192 : i32
        %sign3A_194 = arith.constant 0 : i32
        %sign3A_195 = arith.cmpi sgt, %jit3A_185, %sign3A_194 : i32
        %sign3A_196 = arith.extui %sign3A_195 : i1 to i32
        %sign3A_197 = arith.constant 0 : i32
        %sign3A_198 = arith.cmpi slt, %jit3A_185, %sign3A_197 : i32
        %sign3A_199 = arith.extui %sign3A_198 : i1 to i32
        %sign3A_200 = arith.subi %sign3A_196, %sign3A_199 : i32
        %ne3A_201 = arith.cmpi ne, %sign3A_193, %sign3A_200 : i32
        %rem3A_202 = arith.remsi %while3A_167, %jit3A_185 : i32
        %ne3A_203 = arith.constant 0 : i32
        %ne3A_204 = arith.cmpi ne, %rem3A_202, %ne3A_203 : i32
        %and3A_205 = arith.andi %ne3A_201, %ne3A_204 : i1
        %sub3A_206 = arith.constant 1 : i32
        %sub3A_207 = arith.subi %div3A_186, %sub3A_206 : i32
        %select_n3A_208 = arith.select %and3A_205, %sub3A_207, %div3A_186 : i32
        %mul3A_209 = arith.constant 16 : i32
        %mul3A_210 = arith.muli %select_n3A_208, %mul3A_209 : i32
        %get3A_211 = arith.index_cast %mul3A_210 : i32 to index
        %get3A_212 = tpu.vector_load %arg7[%get3A_211] {strides = array<i32>} : memref<136xi32, #tpu.memory_space<vmem>>, vector<16xi32>,
        %sub3A_213 = arith.subi %while3A_167, %mul3A_210 : i32
        %iota3A_214 = tpu.iota {dimensions = array<i32: 0>} : vector<16xi32>
        %eq3A_215 = vector.broadcast %sub3A_213 : i32 to vector<16xi32>
        %eq3A_216 = arith.cmpi eq, %iota3A_214, %eq3A_215 : vector<16xi32>
        %convert_element_type3A_217 = arith.sitofp %get3A_212 : vector<16xi32> to vector<16xf32>
        %jit3A_218 = arith.constant 0.000000e+00 : f32
        %broadcast_in_dim3A_219 = vector.broadcast %jit3A_218 : f32 to vector<16xf32>
        %select_n3A_220 = arith.select %eq3A_216, %convert_element_type3A_217, %broadcast_in_dim3A_219 : vector<16xi1>, vector<16xf32>
        %reduce_sum3A_221 = arith.constant true
        %reduce_sum3A_222 = vector.broadcast %reduce_sum3A_221 : i1 to vector<16xi1>
        %reduce_sum3A_223 = tpu.scan <sum>, %select_n3A_220 masked %reduce_sum3A_222 : vector<16xf32>, vector<16xi1> -> vector<16xf32>
        %reduce_sum3A_224 = vector.extract %reduce_sum3A_223[15] : f32 from vector<16xf32>
        %convert_element_type3A_225 = arith.fptosi %reduce_sum3A_224 : f32 to i32
        %eq3A_226 = arith.cmpi eq, %convert_element_type3A_225, %while3A_168 : i32
        %ge3A_227 = arith.constant 0 : i32
        %ge3A_228 = arith.cmpi sge, %while3A_168, %ge3A_227 : i32
        %not3A = arith.constant true
        %not3A_229 = arith.xori %eq3A_226, %not3A : i1
        %and3A_230 = arith.andi %ge3A_228, %not3A_229 : i1
        %convert_element_type3A_231 = arith.extui %and3A_230 : i1 to i32
        %cond3A_232 = arith.constant 0 : i32
        %cond3A_233 = arith.cmpi ne, %convert_element_type3A_231, %cond3A_232 : i32
        scf.if %cond3A_233 {
          %sub3A_314 = arith.subi %while3A_168, %mul3A_2 : i32
          %swap3A = arith.index_cast %sub3A_314 : i32 to index
          %swap3A_315 = arith.constant 0 : index
          %swap3A_316 = tpu.vector_load %arg9[%swap3A, %swap3A_315] {strides = array<i32>} : memref<16x256xf32, #tpu.memory_space<vmem>>, vector<16xf32>,
          tpu.vector_store %arg9[%swap3A, %swap3A_315], %while3A_169 {strides = array<i32>} : memref<16x256xf32, #tpu.memory_space<vmem>>, vector<16xf32>,
          %swap3A_317 = arith.index_cast %sub3A_314 : i32 to index
          %swap3A_318 = arith.constant 16 : index
          %swap3A_319 = tpu.vector_load %arg9[%swap3A_317, %swap3A_318] {strides = array<i32>} : memref<16x256xf32, #tpu.memory_space<vmem>>, vector<16xf32>,
          tpu.vector_store %arg9[%swap3A_317, %swap3A_318], %while3A_170 {strides = array<i32>} : memref<16x256xf32, #tpu.memory_space<vmem>>, vector<16xf32>,
          %swap3A_320 = arith.index_cast %sub3A_314 : i32 to index
          %swap3A_321 = arith.constant 32 : index
          %swap3A_322 = tpu.vector_load %arg9[%swap3A_320, %swap3A_321] {strides = array<i32>} : memref<16x256xf32, #tpu.memory_space<vmem>>, vector<16xf32>,
          tpu.vector_store %arg9[%swap3A_320, %swap3A_321], %while3A_171 {strides = array<i32>} : memref<16x256xf32, #tpu.memory_space<vmem>>, vector<16xf32>,
          %swap3A_323 = arith.index_cast %sub3A_314 : i32 to index
          %swap3A_324 = arith.constant 48 : index
          %swap3A_325 = tpu.vector_load %arg9[%swap3A_323, %swap3A_324] {strides = array<i32>} : memref<16x256xf32, #tpu.memory_space<vmem>>, vector<16xf32>,
          tpu.vector_store %arg9[%swap3A_323, %swap3A_324], %while3A_172 {strides = array<i32>} : memref<16x256xf32, #tpu.memory_space<vmem>>, vector<16xf32>,
          %swap3A_326 = arith.index_cast %sub3A_314 : i32 to index
          %swap3A_327 = arith.constant 64 : index
          %swap3A_328 = tpu.vector_load %arg9[%swap3A_326, %swap3A_327] {strides = array<i32>} : memref<16x256xf32, #tpu.memory_space<vmem>>, vector<16xf32>,
          tpu.vector_store %arg9[%swap3A_326, %swap3A_327], %while3A_173 {strides = array<i32>} : memref<16x256xf32, #tpu.memory_space<vmem>>, vector<16xf32>,
          %swap3A_329 = arith.index_cast %sub3A_314 : i32 to index
          %swap3A_330 = arith.constant 80 : index
          %swap3A_331 = tpu.vector_load %arg9[%swap3A_329, %swap3A_330] {strides = array<i32>} : memref<16x256xf32, #tpu.memory_space<vmem>>, vector<16xf32>,
          tpu.vector_store %arg9[%swap3A_329, %swap3A_330], %while3A_174 {strides = array<i32>} : memref<16x256xf32, #tpu.memory_space<vmem>>, vector<16xf32>,
          %swap3A_332 = arith.index_cast %sub3A_314 : i32 to index
          %swap3A_333 = arith.constant 96 : index
          %swap3A_334 = tpu.vector_load %arg9[%swap3A_332, %swap3A_333] {strides = array<i32>} : memref<16x256xf32, #tpu.memory_space<vmem>>, vector<16xf32>,
          tpu.vector_store %arg9[%swap3A_332, %swap3A_333], %while3A_175 {strides = array<i32>} : memref<16x256xf32, #tpu.memory_space<vmem>>, vector<16xf32>,
          %swap3A_335 = arith.index_cast %sub3A_314 : i32 to index
          %swap3A_336 = arith.constant 112 : index
          %swap3A_337 = tpu.vector_load %arg9[%swap3A_335, %swap3A_336] {strides = array<i32>} : memref<16x256xf32, #tpu.memory_space<vmem>>, vector<16xf32>,
          tpu.vector_store %arg9[%swap3A_335, %swap3A_336], %while3A_176 {strides = array<i32>} : memref<16x256xf32, #tpu.memory_space<vmem>>, vector<16xf32>,
          %swap3A_338 = arith.index_cast %sub3A_314 : i32 to index
          %swap3A_339 = arith.constant 128 : index
          %swap3A_340 = tpu.vector_load %arg9[%swap3A_338, %swap3A_339] {strides = array<i32>} : memref<16x256xf32, #tpu.memory_space<vmem>>, vector<16xf32>,
          tpu.vector_store %arg9[%swap3A_338, %swap3A_339], %while3A_177 {strides = array<i32>} : memref<16x256xf32, #tpu.memory_space<vmem>>, vector<16xf32>,
          %swap3A_341 = arith.index_cast %sub3A_314 : i32 to index
          %swap3A_342 = arith.constant 144 : index
          %swap3A_343 = tpu.vector_load %arg9[%swap3A_341, %swap3A_342] {strides = array<i32>} : memref<16x256xf32, #tpu.memory_space<vmem>>, vector<16xf32>,
          tpu.vector_store %arg9[%swap3A_341, %swap3A_342], %while3A_178 {strides = array<i32>} : memref<16x256xf32, #tpu.memory_space<vmem>>, vector<16xf32>,
          %swap3A_344 = arith.index_cast %sub3A_314 : i32 to index
          %swap3A_345 = arith.constant 160 : index
          %swap3A_346 = tpu.vector_load %arg9[%swap3A_344, %swap3A_345] {strides = array<i32>} : memref<16x256xf32, #tpu.memory_space<vmem>>, vector<16xf32>,
          tpu.vector_store %arg9[%swap3A_344, %swap3A_345], %while3A_179 {strides = array<i32>} : memref<16x256xf32, #tpu.memory_space<vmem>>, vector<16xf32>,
          %swap3A_347 = arith.index_cast %sub3A_314 : i32 to index
          %swap3A_348 = arith.constant 176 : index
          %swap3A_349 = tpu.vector_load %arg9[%swap3A_347, %swap3A_348] {strides = array<i32>} : memref<16x256xf32, #tpu.memory_space<vmem>>, vector<16xf32>,
          tpu.vector_store %arg9[%swap3A_347, %swap3A_348], %while3A_180 {strides = array<i32>} : memref<16x256xf32, #tpu.memory_space<vmem>>, vector<16xf32>,
          %swap3A_350 = arith.index_cast %sub3A_314 : i32 to index
          %swap3A_351 = arith.constant 192 : index
          %swap3A_352 = tpu.vector_load %arg9[%swap3A_350, %swap3A_351] {strides = array<i32>} : memref<16x256xf32, #tpu.memory_space<vmem>>, vector<16xf32>,
          tpu.vector_store %arg9[%swap3A_350, %swap3A_351], %while3A_181 {strides = array<i32>} : memref<16x256xf32, #tpu.memory_space<vmem>>, vector<16xf32>,
          %swap3A_353 = arith.index_cast %sub3A_314 : i32 to index
          %swap3A_354 = arith.constant 208 : index
          %swap3A_355 = tpu.vector_load %arg9[%swap3A_353, %swap3A_354] {strides = array<i32>} : memref<16x256xf32, #tpu.memory_space<vmem>>, vector<16xf32>,
          tpu.vector_store %arg9[%swap3A_353, %swap3A_354], %while3A_182 {strides = array<i32>} : memref<16x256xf32, #tpu.memory_space<vmem>>, vector<16xf32>,
          %swap3A_356 = arith.index_cast %sub3A_314 : i32 to index
          %swap3A_357 = arith.constant 224 : index
          %swap3A_358 = tpu.vector_load %arg9[%swap3A_356, %swap3A_357] {strides = array<i32>} : memref<16x256xf32, #tpu.memory_space<vmem>>, vector<16xf32>,
          tpu.vector_store %arg9[%swap3A_356, %swap3A_357], %while3A_183 {strides = array<i32>} : memref<16x256xf32, #tpu.memory_space<vmem>>, vector<16xf32>,
          %swap3A_359 = arith.index_cast %sub3A_314 : i32 to index
          %swap3A_360 = arith.constant 240 : index
          %swap3A_361 = tpu.vector_load %arg9[%swap3A_359, %swap3A_360] {strides = array<i32>} : memref<16x256xf32, #tpu.memory_space<vmem>>, vector<16xf32>,
          tpu.vector_store %arg9[%swap3A_359, %swap3A_360], %while3A_184 {strides = array<i32>} : memref<16x256xf32, #tpu.memory_space<vmem>>, vector<16xf32>,
        } else {
        }
        %get3A_234 = arith.index_cast %while3A_167 : i32 to index
        %get3A_235 = arith.constant 0 : index
        %get3A_236 = tpu.vector_load %arg8[%get3A_234, %get3A_235] {strides = array<i32>} : memref<136x256xf32, #tpu.memory_space<vmem>>, vector<16xf32>,
        %get3A_237 = arith.index_cast %while3A_167 : i32 to index
        %get3A_238 = arith.constant 16 : index
        %get3A_239 = tpu.vector_load %arg8[%get3A_237, %get3A_238] {strides = array<i32>} : memref<136x256xf32, #tpu.memory_space<vmem>>, vector<16xf32>,
        %get3A_240 = arith.index_cast %while3A_167 : i32 to index
        %get3A_241 = arith.constant 32 : index
        %get3A_242 = tpu.vector_load %arg8[%get3A_240, %get3A_241] {strides = array<i32>} : memref<136x256xf32, #tpu.memory_space<vmem>>, vector<16xf32>,
        %get3A_243 = arith.index_cast %while3A_167 : i32 to index
        %get3A_244 = arith.constant 48 : index
        %get3A_245 = tpu.vector_load %arg8[%get3A_243, %get3A_244] {strides = array<i32>} : memref<136x256xf32, #tpu.memory_space<vmem>>, vector<16xf32>,
        %get3A_246 = arith.index_cast %while3A_167 : i32 to index
        %get3A_247 = arith.constant 64 : index
        %get3A_248 = tpu.vector_load %arg8[%get3A_246, %get3A_247] {strides = array<i32>} : memref<136x256xf32, #tpu.memory_space<vmem>>, vector<16xf32>,
        %get3A_249 = arith.index_cast %while3A_167 : i32 to index
        %get3A_250 = arith.constant 80 : index
        %get3A_251 = tpu.vector_load %arg8[%get3A_249, %get3A_250] {strides = array<i32>} : memref<136x256xf32, #tpu.memory_space<vmem>>, vector<16xf32>,
        %get3A_252 = arith.index_cast %while3A_167 : i32 to index
        %get3A_253 = arith.constant 96 : index
        %get3A_254 = tpu.vector_load %arg8[%get3A_252, %get3A_253] {strides = array<i32>} : memref<136x256xf32, #tpu.memory_space<vmem>>, vector<16xf32>,
        %get3A_255 = arith.index_cast %while3A_167 : i32 to index
        %get3A_256 = arith.constant 112 : index
        %get3A_257 = tpu.vector_load %arg8[%get3A_255, %get3A_256] {strides = array<i32>} : memref<136x256xf32, #tpu.memory_space<vmem>>, vector<16xf32>,
        %get3A_258 = arith.index_cast %while3A_167 : i32 to index
        %get3A_259 = arith.constant 128 : index
        %get3A_260 = tpu.vector_load %arg8[%get3A_258, %get3A_259] {strides = array<i32>} : memref<136x256xf32, #tpu.memory_space<vmem>>, vector<16xf32>,
        %get3A_261 = arith.index_cast %while3A_167 : i32 to index
        %get3A_262 = arith.constant 144 : index
        %get3A_263 = tpu.vector_load %arg8[%get3A_261, %get3A_262] {strides = array<i32>} : memref<136x256xf32, #tpu.memory_space<vmem>>, vector<16xf32>,
        %get3A_264 = arith.index_cast %while3A_167 : i32 to index
        %get3A_265 = arith.constant 160 : index
        %get3A_266 = tpu.vector_load %arg8[%get3A_264, %get3A_265] {strides = array<i32>} : memref<136x256xf32, #tpu.memory_space<vmem>>, vector<16xf32>,
        %get3A_267 = arith.index_cast %while3A_167 : i32 to index
        %get3A_268 = arith.constant 176 : index
        %get3A_269 = tpu.vector_load %arg8[%get3A_267, %get3A_268] {strides = array<i32>} : memref<136x256xf32, #tpu.memory_space<vmem>>, vector<16xf32>,
        %get3A_270 = arith.index_cast %while3A_167 : i32 to index
        %get3A_271 = arith.constant 192 : index
        %get3A_272 = tpu.vector_load %arg8[%get3A_270, %get3A_271] {strides = array<i32>} : memref<136x256xf32, #tpu.memory_space<vmem>>, vector<16xf32>,
        %get3A_273 = arith.index_cast %while3A_167 : i32 to index
        %get3A_274 = arith.constant 208 : index
        %get3A_275 = tpu.vector_load %arg8[%get3A_273, %get3A_274] {strides = array<i32>} : memref<136x256xf32, #tpu.memory_space<vmem>>, vector<16xf32>,
        %get3A_276 = arith.index_cast %while3A_167 : i32 to index
        %get3A_277 = arith.constant 224 : index
        %get3A_278 = tpu.vector_load %arg8[%get3A_276, %get3A_277] {strides = array<i32>} : memref<136x256xf32, #tpu.memory_space<vmem>>, vector<16xf32>,
        %get3A_279 = arith.index_cast %while3A_167 : i32 to index
        %get3A_280 = arith.constant 240 : index
        %get3A_281 = tpu.vector_load %arg8[%get3A_279, %get3A_280] {strides = array<i32>} : memref<136x256xf32, #tpu.memory_space<vmem>>, vector<16xf32>,
        %add3A_282 = arith.addf %while3A_169, %get3A_236 : vector<16xf32>
        %select_n3A_283 = arith.select %eq3A_226, %add3A_282, %get3A_236 : vector<16xf32>
        %add3A_284 = arith.addf %while3A_170, %get3A_239 : vector<16xf32>
        %select_n3A_285 = arith.select %eq3A_226, %add3A_284, %get3A_239 : vector<16xf32>
        %add3A_286 = arith.addf %while3A_171, %get3A_242 : vector<16xf32>
        %select_n3A_287 = arith.select %eq3A_226, %add3A_286, %get3A_242 : vector<16xf32>
        %add3A_288 = arith.addf %while3A_172, %get3A_245 : vector<16xf32>
        %select_n3A_289 = arith.select %eq3A_226, %add3A_288, %get3A_245 : vector<16xf32>
        %add3A_290 = arith.addf %while3A_173, %get3A_248 : vector<16xf32>
        %select_n3A_291 = arith.select %eq3A_226, %add3A_290, %get3A_248 : vector<16xf32>
        %add3A_292 = arith.addf %while3A_174, %get3A_251 : vector<16xf32>
        %select_n3A_293 = arith.select %eq3A_226, %add3A_292, %get3A_251 : vector<16xf32>
        %add3A_294 = arith.addf %while3A_175, %get3A_254 : vector<16xf32>
        %select_n3A_295 = arith.select %eq3A_226, %add3A_294, %get3A_254 : vector<16xf32>
        %add3A_296 = arith.addf %while3A_176, %get3A_257 : vector<16xf32>
        %select_n3A_297 = arith.select %eq3A_226, %add3A_296, %get3A_257 : vector<16xf32>
        %add3A_298 = arith.addf %while3A_177, %get3A_260 : vector<16xf32>
        %select_n3A_299 = arith.select %eq3A_226, %add3A_298, %get3A_260 : vector<16xf32>
        %add3A_300 = arith.addf %while3A_178, %get3A_263 : vector<16xf32>
        %select_n3A_301 = arith.select %eq3A_226, %add3A_300, %get3A_263 : vector<16xf32>
        %add3A_302 = arith.addf %while3A_179, %get3A_266 : vector<16xf32>
        %select_n3A_303 = arith.select %eq3A_226, %add3A_302, %get3A_266 : vector<16xf32>
        %add3A_304 = arith.addf %while3A_180, %get3A_269 : vector<16xf32>
        %select_n3A_305 = arith.select %eq3A_226, %add3A_304, %get3A_269 : vector<16xf32>
        %add3A_306 = arith.addf %while3A_181, %get3A_272 : vector<16xf32>
        %select_n3A_307 = arith.select %eq3A_226, %add3A_306, %get3A_272 : vector<16xf32>
        %add3A_308 = arith.addf %while3A_182, %get3A_275 : vector<16xf32>
        %select_n3A_309 = arith.select %eq3A_226, %add3A_308, %get3A_275 : vector<16xf32>
        %add3A_310 = arith.addf %while3A_183, %get3A_278 : vector<16xf32>
        %select_n3A_311 = arith.select %eq3A_226, %add3A_310, %get3A_278 : vector<16xf32>
        %add3A_312 = arith.addf %while3A_184, %get3A_281 : vector<16xf32>
        %select_n3A_313 = arith.select %eq3A_226, %add3A_312, %get3A_281 : vector<16xf32>
        scf.yield %convert_element_type3A_225, %select_n3A_283, %select_n3A_285, %select_n3A_287, %select_n3A_289, %select_n3A_291, %select_n3A_293, %select_n3A_295, %select_n3A_297, %select_n3A_299, %select_n3A_301, %select_n3A_303, %select_n3A_305, %select_n3A_307, %select_n3A_309, %select_n3A_311, %select_n3A_313 : i32, vector<16xf32>, vector<16xf32>, vector<16xf32>, vector<16xf32>, vector<16xf32>, vector<16xf32>, vector<16xf32>, vector<16xf32>, vector<16xf32>, vector<16xf32>, vector<16xf32>, vector<16xf32>, vector<16xf32>, vector<16xf32>, vector<16xf32>, vector<16xf32>
      }
      scf.yield %while3A_166#0, %while3A_166#1, %while3A_166#2, %while3A_166#3, %while3A_166#4, %while3A_166#5, %while3A_166#6, %while3A_166#7, %while3A_166#8, %while3A_166#9, %while3A_166#10, %while3A_166#11, %while3A_166#12, %while3A_166#13, %while3A_166#14, %while3A_166#15, %while3A_166#16 : i32, vector<16xf32>, vector<16xf32>, vector<16xf32>, vector<16xf32>, vector<16xf32>, vector<16xf32>, vector<16xf32>, vector<16xf32>, vector<16xf32>, vector<16xf32>, vector<16xf32>, vector<16xf32>, vector<16xf32>, vector<16xf32>, vector<16xf32>, vector<16xf32>
    }
    %while3A_99 = arith.constant 1 : i32
    %while3A_100:17 = scf.for %while3A_104 = %while3A_96 to %while3A_92 step %while3A_99 iter_args(%while3A_105 = %while3A_98#0, %while3A_106 = %while3A_98#1, %while3A_107 = %while3A_98#2, %while3A_108 = %while3A_98#3, %while3A_109 = %while3A_98#4, %while3A_110 = %while3A_98#5, %while3A_111 = %while3A_98#6, %while3A_112 = %while3A_98#7, %while3A_113 = %while3A_98#8, %while3A_114 = %while3A_98#9, %while3A_115 = %while3A_98#10, %while3A_116 = %while3A_98#11, %while3A_117 = %while3A_98#12, %while3A_118 = %while3A_98#13, %while3A_119 = %while3A_98#14, %while3A_120 = %while3A_98#15, %while3A_121 = %while3A_98#16) -> (i32, vector<16xf32>, vector<16xf32>, vector<16xf32>, vector<16xf32>, vector<16xf32>, vector<16xf32>, vector<16xf32>, vector<16xf32>, vector<16xf32>, vector<16xf32>, vector<16xf32>, vector<16xf32>, vector<16xf32>, vector<16xf32>, vector<16xf32>, vector<16xf32>)  : i32 {
      %mul3A_122 = arith.constant 128 : i32
      %mul3A_123 = arith.muli %while3A_104, %mul3A_122 : i32
      %add3A_124 = arith.addi %convert_element_type3A_29, %mul3A_123 : i32
      %jit3A_125 = arith.constant 8 : i32
      %div3A_126 = arith.divsi %add3A_124, %jit3A_125 : i32
      %sign3A_127 = arith.constant 0 : i32
      %sign3A_128 = arith.cmpi sgt, %add3A_124, %sign3A_127 : i32
      %sign3A_129 = arith.extui %sign3A_128 : i1 to i32
      %sign3A_130 = arith.constant 0 : i32
      %sign3A_131 = arith.cmpi slt, %add3A_124, %sign3A_130 : i32
      %sign3A_132 = arith.extui %sign3A_131 : i1 to i32
      %sign3A_133 = arith.subi %sign3A_129, %sign3A_132 : i32
      %sign3A_134 = arith.constant 0 : i32
      %sign3A_135 = arith.cmpi sgt, %jit3A_125, %sign3A_134 : i32
      %sign3A_136 = arith.extui %sign3A_135 : i1 to i32
      %sign3A_137 = arith.constant 0 : i32
      %sign3A_138 = arith.cmpi slt, %jit3A_125, %sign3A_137 : i32
      %sign3A_139 = arith.extui %sign3A_138 : i1 to i32
      %sign3A_140 = arith.subi %sign3A_136, %sign3A_139 : i32
      %ne3A_141 = arith.cmpi ne, %sign3A_133, %sign3A_140 : i32
      %rem3A_142 = arith.remsi %add3A_124, %jit3A_125 : i32
      %ne3A_143 = arith.constant 0 : i32
      %ne3A_144 = arith.cmpi ne, %rem3A_142, %ne3A_143 : i32
      %and3A_145 = arith.andi %ne3A_141, %ne3A_144 : i1
      %sub3A_146 = arith.constant 1 : i32
      %sub3A_147 = arith.subi %div3A_126, %sub3A_146 : i32
      %select_n3A_148 = arith.select %and3A_145, %sub3A_147, %div3A_126 : i32
      %mul3A_149 = arith.constant 8 : i32
      %mul3A_150 = arith.muli %select_n3A_148, %mul3A_149 : i32
      %min3A = arith.constant 319864 : i32
      %min3A_151 = arith.minsi %mul3A_150, %min3A : i32
      "tpu.region"() ({
        %run_scoped3A = tpu.sem_alloc : memref<!tpu.dma_semaphore, #tpu.memory_space<semaphore_mem>>
        %dma_start3A = arith.constant 0 : i32
        %dma_start3A_167 = tpu.memref_slice %arg2[%min3A_151, %dma_start3A] : memref<320000x256xf32, #tpu.memory_space<hbm>> -> memref<136x256xf32, #tpu.memory_space<hbm>>
        %dma_start3A_168 = arith.constant 0 : i32
        %dma_start3A_169 = tpu.memref_slice %arg2[%min3A_151, %dma_start3A_168] : memref<320000x256xf32, #tpu.memory_space<hbm>> -> memref<136x256xf32, #tpu.memory_space<hbm>>
        tpu.enqueue_dma source(%dma_start3A_169 : memref<136x256xf32, #tpu.memory_space<hbm>>) target(%arg8 : memref<136x256xf32, #tpu.memory_space<vmem>>) target_semaphore(%run_scoped3A : memref<!tpu.dma_semaphore, #tpu.memory_space<semaphore_mem>>)
        %dma_wait3A = arith.constant 0 : i32
        %dma_wait3A_170 = tpu.memref_slice %arg2[%min3A_151, %dma_wait3A] : memref<320000x256xf32, #tpu.memory_space<hbm>> -> memref<136x256xf32, #tpu.memory_space<hbm>>
        %dma_wait3A_171 = arith.constant 0 : i32
        %dma_wait3A_172 = tpu.memref_slice %arg2[%min3A_151, %dma_wait3A_171] : memref<320000x256xf32, #tpu.memory_space<hbm>> -> memref<136x256xf32, #tpu.memory_space<hbm>>
        tpu.wait_dma2 semaphore(%run_scoped3A : memref<!tpu.dma_semaphore, #tpu.memory_space<semaphore_mem>>) src(%dma_wait3A_172 : memref<136x256xf32, #tpu.memory_space<hbm>>) dst(%arg8 : memref<136x256xf32, #tpu.memory_space<vmem>>)
        tpu.yield
      }) : () -> ()
      "tpu.region"() ({
        %run_scoped3A = tpu.sem_alloc : memref<!tpu.dma_semaphore, #tpu.memory_space<semaphore_mem>>
        %dma_start3A = tpu.memref_slice %arg3[%min3A_151] : memref<320000xi32, #tpu.memory_space<hbm>> -> memref<136xi32, #tpu.memory_space<hbm>>
        %dma_start3A_167 = tpu.memref_slice %arg3[%min3A_151] : memref<320000xi32, #tpu.memory_space<hbm>> -> memref<136xi32, #tpu.memory_space<hbm>>
        tpu.enqueue_dma source(%dma_start3A_167 : memref<136xi32, #tpu.memory_space<hbm>>) target(%arg7 : memref<136xi32, #tpu.memory_space<vmem>>) target_semaphore(%run_scoped3A : memref<!tpu.dma_semaphore, #tpu.memory_space<semaphore_mem>>)
        %dma_wait3A = tpu.memref_slice %arg3[%min3A_151] : memref<320000xi32, #tpu.memory_space<hbm>> -> memref<136xi32, #tpu.memory_space<hbm>>
        %dma_wait3A_168 = tpu.memref_slice %arg3[%min3A_151] : memref<320000xi32, #tpu.memory_space<hbm>> -> memref<136xi32, #tpu.memory_space<hbm>>
        tpu.wait_dma2 semaphore(%run_scoped3A : memref<!tpu.dma_semaphore, #tpu.memory_space<semaphore_mem>>) src(%dma_wait3A_168 : memref<136xi32, #tpu.memory_space<hbm>>) dst(%arg7 : memref<136xi32, #tpu.memory_space<vmem>>)
        tpu.yield
      }) : () -> ()
      %sub3A_152 = arith.subi %add3A_124, %min3A_151 : i32
      %sub3A_153 = arith.subi %convert_element_type3A_44, %add3A_124 : i32
      %min3A_154 = arith.constant 128 : i32
      %min3A_155 = arith.minsi %sub3A_153, %min3A_154 : i32
      %add3A_156 = arith.addi %sub3A_152, %min3A_155 : i32
      %while3A_157 = arith.subi %add3A_156, %sub3A_152 : i32
      %while3A_158 = arith.addi %sub3A_152, %while3A_157 : i32
      %while3A_159 = arith.constant 1 : i32
      %while3A_160 = arith.divsi %while3A_157, %while3A_159 : i32
      %while3A_161 = arith.muli %while3A_160, %while3A_159 : i32
      %while3A_162 = arith.addi %sub3A_152, %while3A_161 : i32
      %while3A_163 = arith.constant 1 : i32
      %while3A_164:17 = scf.for %while3A_167 = %sub3A_152 to %while3A_162 step %while3A_163 iter_args(%while3A_168 = %while3A_105, %while3A_169 = %while3A_106, %while3A_170 = %while3A_107, %while3A_171 = %while3A_108, %while3A_172 = %while3A_109, %while3A_173 = %while3A_110, %while3A_174 = %while3A_111, %while3A_175 = %while3A_112, %while3A_176 = %while3A_113, %while3A_177 = %while3A_114, %while3A_178 = %while3A_115, %while3A_179 = %while3A_116, %while3A_180 = %while3A_117, %while3A_181 = %while3A_118, %while3A_182 = %while3A_119, %while3A_183 = %while3A_120, %while3A_184 = %while3A_121) -> (i32, vector<16xf32>, vector<16xf32>, vector<16xf32>, vector<16xf32>, vector<16xf32>, vector<16xf32>, vector<16xf32>, vector<16xf32>, vector<16xf32>, vector<16xf32>, vector<16xf32>, vector<16xf32>, vector<16xf32>, vector<16xf32>, vector<16xf32>, vector<16xf32>)  : i32 {
        %jit3A_185 = arith.constant 16 : i32
        %div3A_186 = arith.divsi %while3A_167, %jit3A_185 : i32
        %sign3A_187 = arith.constant 0 : i32
        %sign3A_188 = arith.cmpi sgt, %while3A_167, %sign3A_187 : i32
        %sign3A_189 = arith.extui %sign3A_188 : i1 to i32
        %sign3A_190 = arith.constant 0 : i32
        %sign3A_191 = arith.cmpi slt, %while3A_167, %sign3A_190 : i32
        %sign3A_192 = arith.extui %sign3A_191 : i1 to i32
        %sign3A_193 = arith.subi %sign3A_189, %sign3A_192 : i32
        %sign3A_194 = arith.constant 0 : i32
        %sign3A_195 = arith.cmpi sgt, %jit3A_185, %sign3A_194 : i32
        %sign3A_196 = arith.extui %sign3A_195 : i1 to i32
        %sign3A_197 = arith.constant 0 : i32
        %sign3A_198 = arith.cmpi slt, %jit3A_185, %sign3A_197 : i32
        %sign3A_199 = arith.extui %sign3A_198 : i1 to i32
        %sign3A_200 = arith.subi %sign3A_196, %sign3A_199 : i32
        %ne3A_201 = arith.cmpi ne, %sign3A_193, %sign3A_200 : i32
        %rem3A_202 = arith.remsi %while3A_167, %jit3A_185 : i32
        %ne3A_203 = arith.constant 0 : i32
        %ne3A_204 = arith.cmpi ne, %rem3A_202, %ne3A_203 : i32
        %and3A_205 = arith.andi %ne3A_201, %ne3A_204 : i1
        %sub3A_206 = arith.constant 1 : i32
        %sub3A_207 = arith.subi %div3A_186, %sub3A_206 : i32
        %select_n3A_208 = arith.select %and3A_205, %sub3A_207, %div3A_186 : i32
        %mul3A_209 = arith.constant 16 : i32
        %mul3A_210 = arith.muli %select_n3A_208, %mul3A_209 : i32
        %get3A_211 = arith.index_cast %mul3A_210 : i32 to index
        %get3A_212 = tpu.vector_load %arg7[%get3A_211] {strides = array<i32>} : memref<136xi32, #tpu.memory_space<vmem>>, vector<16xi32>,
        %sub3A_213 = arith.subi %while3A_167, %mul3A_210 : i32
        %iota3A_214 = tpu.iota {dimensions = array<i32: 0>} : vector<16xi32>
        %eq3A_215 = vector.broadcast %sub3A_213 : i32 to vector<16xi32>
        %eq3A_216 = arith.cmpi eq, %iota3A_214, %eq3A_215 : vector<16xi32>
        %convert_element_type3A_217 = arith.sitofp %get3A_212 : vector<16xi32> to vector<16xf32>
        %jit3A_218 = arith.constant 0.000000e+00 : f32
        %broadcast_in_dim3A_219 = vector.broadcast %jit3A_218 : f32 to vector<16xf32>
        %select_n3A_220 = arith.select %eq3A_216, %convert_element_type3A_217, %broadcast_in_dim3A_219 : vector<16xi1>, vector<16xf32>
        %reduce_sum3A_221 = arith.constant true
        %reduce_sum3A_222 = vector.broadcast %reduce_sum3A_221 : i1 to vector<16xi1>
        %reduce_sum3A_223 = tpu.scan <sum>, %select_n3A_220 masked %reduce_sum3A_222 : vector<16xf32>, vector<16xi1> -> vector<16xf32>
        %reduce_sum3A_224 = vector.extract %reduce_sum3A_223[15] : f32 from vector<16xf32>
        %convert_element_type3A_225 = arith.fptosi %reduce_sum3A_224 : f32 to i32
        %eq3A_226 = arith.cmpi eq, %convert_element_type3A_225, %while3A_168 : i32
        %ge3A_227 = arith.constant 0 : i32
        %ge3A_228 = arith.cmpi sge, %while3A_168, %ge3A_227 : i32
        %not3A = arith.constant true
        %not3A_229 = arith.xori %eq3A_226, %not3A : i1
        %and3A_230 = arith.andi %ge3A_228, %not3A_229 : i1
        %convert_element_type3A_231 = arith.extui %and3A_230 : i1 to i32
        %cond3A_232 = arith.constant 0 : i32
        %cond3A_233 = arith.cmpi ne, %convert_element_type3A_231, %cond3A_232 : i32
        scf.if %cond3A_233 {
          %sub3A_314 = arith.subi %while3A_168, %mul3A_2 : i32
          %swap3A = arith.index_cast %sub3A_314 : i32 to index
          %swap3A_315 = arith.constant 0 : index
          %swap3A_316 = tpu.vector_load %arg9[%swap3A, %swap3A_315] {strides = array<i32>} : memref<16x256xf32, #tpu.memory_space<vmem>>, vector<16xf32>,
          tpu.vector_store %arg9[%swap3A, %swap3A_315], %while3A_169 {strides = array<i32>} : memref<16x256xf32, #tpu.memory_space<vmem>>, vector<16xf32>,
          %swap3A_317 = arith.index_cast %sub3A_314 : i32 to index
          %swap3A_318 = arith.constant 16 : index
          %swap3A_319 = tpu.vector_load %arg9[%swap3A_317, %swap3A_318] {strides = array<i32>} : memref<16x256xf32, #tpu.memory_space<vmem>>, vector<16xf32>,
          tpu.vector_store %arg9[%swap3A_317, %swap3A_318], %while3A_170 {strides = array<i32>} : memref<16x256xf32, #tpu.memory_space<vmem>>, vector<16xf32>,
          %swap3A_320 = arith.index_cast %sub3A_314 : i32 to index
          %swap3A_321 = arith.constant 32 : index
          %swap3A_322 = tpu.vector_load %arg9[%swap3A_320, %swap3A_321] {strides = array<i32>} : memref<16x256xf32, #tpu.memory_space<vmem>>, vector<16xf32>,
          tpu.vector_store %arg9[%swap3A_320, %swap3A_321], %while3A_171 {strides = array<i32>} : memref<16x256xf32, #tpu.memory_space<vmem>>, vector<16xf32>,
          %swap3A_323 = arith.index_cast %sub3A_314 : i32 to index
          %swap3A_324 = arith.constant 48 : index
          %swap3A_325 = tpu.vector_load %arg9[%swap3A_323, %swap3A_324] {strides = array<i32>} : memref<16x256xf32, #tpu.memory_space<vmem>>, vector<16xf32>,
          tpu.vector_store %arg9[%swap3A_323, %swap3A_324], %while3A_172 {strides = array<i32>} : memref<16x256xf32, #tpu.memory_space<vmem>>, vector<16xf32>,
          %swap3A_326 = arith.index_cast %sub3A_314 : i32 to index
          %swap3A_327 = arith.constant 64 : index
          %swap3A_328 = tpu.vector_load %arg9[%swap3A_326, %swap3A_327] {strides = array<i32>} : memref<16x256xf32, #tpu.memory_space<vmem>>, vector<16xf32>,
          tpu.vector_store %arg9[%swap3A_326, %swap3A_327], %while3A_173 {strides = array<i32>} : memref<16x256xf32, #tpu.memory_space<vmem>>, vector<16xf32>,
          %swap3A_329 = arith.index_cast %sub3A_314 : i32 to index
          %swap3A_330 = arith.constant 80 : index
          %swap3A_331 = tpu.vector_load %arg9[%swap3A_329, %swap3A_330] {strides = array<i32>} : memref<16x256xf32, #tpu.memory_space<vmem>>, vector<16xf32>,
          tpu.vector_store %arg9[%swap3A_329, %swap3A_330], %while3A_174 {strides = array<i32>} : memref<16x256xf32, #tpu.memory_space<vmem>>, vector<16xf32>,
          %swap3A_332 = arith.index_cast %sub3A_314 : i32 to index
          %swap3A_333 = arith.constant 96 : index
          %swap3A_334 = tpu.vector_load %arg9[%swap3A_332, %swap3A_333] {strides = array<i32>} : memref<16x256xf32, #tpu.memory_space<vmem>>, vector<16xf32>,
          tpu.vector_store %arg9[%swap3A_332, %swap3A_333], %while3A_175 {strides = array<i32>} : memref<16x256xf32, #tpu.memory_space<vmem>>, vector<16xf32>,
          %swap3A_335 = arith.index_cast %sub3A_314 : i32 to index
          %swap3A_336 = arith.constant 112 : index
          %swap3A_337 = tpu.vector_load %arg9[%swap3A_335, %swap3A_336] {strides = array<i32>} : memref<16x256xf32, #tpu.memory_space<vmem>>, vector<16xf32>,
          tpu.vector_store %arg9[%swap3A_335, %swap3A_336], %while3A_176 {strides = array<i32>} : memref<16x256xf32, #tpu.memory_space<vmem>>, vector<16xf32>,
          %swap3A_338 = arith.index_cast %sub3A_314 : i32 to index
          %swap3A_339 = arith.constant 128 : index
          %swap3A_340 = tpu.vector_load %arg9[%swap3A_338, %swap3A_339] {strides = array<i32>} : memref<16x256xf32, #tpu.memory_space<vmem>>, vector<16xf32>,
          tpu.vector_store %arg9[%swap3A_338, %swap3A_339], %while3A_177 {strides = array<i32>} : memref<16x256xf32, #tpu.memory_space<vmem>>, vector<16xf32>,
          %swap3A_341 = arith.index_cast %sub3A_314 : i32 to index
          %swap3A_342 = arith.constant 144 : index
          %swap3A_343 = tpu.vector_load %arg9[%swap3A_341, %swap3A_342] {strides = array<i32>} : memref<16x256xf32, #tpu.memory_space<vmem>>, vector<16xf32>,
          tpu.vector_store %arg9[%swap3A_341, %swap3A_342], %while3A_178 {strides = array<i32>} : memref<16x256xf32, #tpu.memory_space<vmem>>, vector<16xf32>,
          %swap3A_344 = arith.index_cast %sub3A_314 : i32 to index
          %swap3A_345 = arith.constant 160 : index
          %swap3A_346 = tpu.vector_load %arg9[%swap3A_344, %swap3A_345] {strides = array<i32>} : memref<16x256xf32, #tpu.memory_space<vmem>>, vector<16xf32>,
          tpu.vector_store %arg9[%swap3A_344, %swap3A_345], %while3A_179 {strides = array<i32>} : memref<16x256xf32, #tpu.memory_space<vmem>>, vector<16xf32>,
          %swap3A_347 = arith.index_cast %sub3A_314 : i32 to index
          %swap3A_348 = arith.constant 176 : index
          %swap3A_349 = tpu.vector_load %arg9[%swap3A_347, %swap3A_348] {strides = array<i32>} : memref<16x256xf32, #tpu.memory_space<vmem>>, vector<16xf32>,
          tpu.vector_store %arg9[%swap3A_347, %swap3A_348], %while3A_180 {strides = array<i32>} : memref<16x256xf32, #tpu.memory_space<vmem>>, vector<16xf32>,
          %swap3A_350 = arith.index_cast %sub3A_314 : i32 to index
          %swap3A_351 = arith.constant 192 : index
          %swap3A_352 = tpu.vector_load %arg9[%swap3A_350, %swap3A_351] {strides = array<i32>} : memref<16x256xf32, #tpu.memory_space<vmem>>, vector<16xf32>,
          tpu.vector_store %arg9[%swap3A_350, %swap3A_351], %while3A_181 {strides = array<i32>} : memref<16x256xf32, #tpu.memory_space<vmem>>, vector<16xf32>,
          %swap3A_353 = arith.index_cast %sub3A_314 : i32 to index
          %swap3A_354 = arith.constant 208 : index
          %swap3A_355 = tpu.vector_load %arg9[%swap3A_353, %swap3A_354] {strides = array<i32>} : memref<16x256xf32, #tpu.memory_space<vmem>>, vector<16xf32>,
          tpu.vector_store %arg9[%swap3A_353, %swap3A_354], %while3A_182 {strides = array<i32>} : memref<16x256xf32, #tpu.memory_space<vmem>>, vector<16xf32>,
          %swap3A_356 = arith.index_cast %sub3A_314 : i32 to index
          %swap3A_357 = arith.constant 224 : index
          %swap3A_358 = tpu.vector_load %arg9[%swap3A_356, %swap3A_357] {strides = array<i32>} : memref<16x256xf32, #tpu.memory_space<vmem>>, vector<16xf32>,
          tpu.vector_store %arg9[%swap3A_356, %swap3A_357], %while3A_183 {strides = array<i32>} : memref<16x256xf32, #tpu.memory_space<vmem>>, vector<16xf32>,
          %swap3A_359 = arith.index_cast %sub3A_314 : i32 to index
          %swap3A_360 = arith.constant 240 : index
          %swap3A_361 = tpu.vector_load %arg9[%swap3A_359, %swap3A_360] {strides = array<i32>} : memref<16x256xf32, #tpu.memory_space<vmem>>, vector<16xf32>,
          tpu.vector_store %arg9[%swap3A_359, %swap3A_360], %while3A_184 {strides = array<i32>} : memref<16x256xf32, #tpu.memory_space<vmem>>, vector<16xf32>,
        } else {
        }
        %get3A_234 = arith.index_cast %while3A_167 : i32 to index
        %get3A_235 = arith.constant 0 : index
        %get3A_236 = tpu.vector_load %arg8[%get3A_234, %get3A_235] {strides = array<i32>} : memref<136x256xf32, #tpu.memory_space<vmem>>, vector<16xf32>,
        %get3A_237 = arith.index_cast %while3A_167 : i32 to index
        %get3A_238 = arith.constant 16 : index
        %get3A_239 = tpu.vector_load %arg8[%get3A_237, %get3A_238] {strides = array<i32>} : memref<136x256xf32, #tpu.memory_space<vmem>>, vector<16xf32>,
        %get3A_240 = arith.index_cast %while3A_167 : i32 to index
        %get3A_241 = arith.constant 32 : index
        %get3A_242 = tpu.vector_load %arg8[%get3A_240, %get3A_241] {strides = array<i32>} : memref<136x256xf32, #tpu.memory_space<vmem>>, vector<16xf32>,
        %get3A_243 = arith.index_cast %while3A_167 : i32 to index
        %get3A_244 = arith.constant 48 : index
        %get3A_245 = tpu.vector_load %arg8[%get3A_243, %get3A_244] {strides = array<i32>} : memref<136x256xf32, #tpu.memory_space<vmem>>, vector<16xf32>,
        %get3A_246 = arith.index_cast %while3A_167 : i32 to index
        %get3A_247 = arith.constant 64 : index
        %get3A_248 = tpu.vector_load %arg8[%get3A_246, %get3A_247] {strides = array<i32>} : memref<136x256xf32, #tpu.memory_space<vmem>>, vector<16xf32>,
        %get3A_249 = arith.index_cast %while3A_167 : i32 to index
        %get3A_250 = arith.constant 80 : index
        %get3A_251 = tpu.vector_load %arg8[%get3A_249, %get3A_250] {strides = array<i32>} : memref<136x256xf32, #tpu.memory_space<vmem>>, vector<16xf32>,
        %get3A_252 = arith.index_cast %while3A_167 : i32 to index
        %get3A_253 = arith.constant 96 : index
        %get3A_254 = tpu.vector_load %arg8[%get3A_252, %get3A_253] {strides = array<i32>} : memref<136x256xf32, #tpu.memory_space<vmem>>, vector<16xf32>,
        %get3A_255 = arith.index_cast %while3A_167 : i32 to index
        %get3A_256 = arith.constant 112 : index
        %get3A_257 = tpu.vector_load %arg8[%get3A_255, %get3A_256] {strides = array<i32>} : memref<136x256xf32, #tpu.memory_space<vmem>>, vector<16xf32>,
        %get3A_258 = arith.index_cast %while3A_167 : i32 to index
        %get3A_259 = arith.constant 128 : index
        %get3A_260 = tpu.vector_load %arg8[%get3A_258, %get3A_259] {strides = array<i32>} : memref<136x256xf32, #tpu.memory_space<vmem>>, vector<16xf32>,
        %get3A_261 = arith.index_cast %while3A_167 : i32 to index
        %get3A_262 = arith.constant 144 : index
        %get3A_263 = tpu.vector_load %arg8[%get3A_261, %get3A_262] {strides = array<i32>} : memref<136x256xf32, #tpu.memory_space<vmem>>, vector<16xf32>,
        %get3A_264 = arith.index_cast %while3A_167 : i32 to index
        %get3A_265 = arith.constant 160 : index
        %get3A_266 = tpu.vector_load %arg8[%get3A_264, %get3A_265] {strides = array<i32>} : memref<136x256xf32, #tpu.memory_space<vmem>>, vector<16xf32>,
        %get3A_267 = arith.index_cast %while3A_167 : i32 to index
        %get3A_268 = arith.constant 176 : index
        %get3A_269 = tpu.vector_load %arg8[%get3A_267, %get3A_268] {strides = array<i32>} : memref<136x256xf32, #tpu.memory_space<vmem>>, vector<16xf32>,
        %get3A_270 = arith.index_cast %while3A_167 : i32 to index
        %get3A_271 = arith.constant 192 : index
        %get3A_272 = tpu.vector_load %arg8[%get3A_270, %get3A_271] {strides = array<i32>} : memref<136x256xf32, #tpu.memory_space<vmem>>, vector<16xf32>,
        %get3A_273 = arith.index_cast %while3A_167 : i32 to index
        %get3A_274 = arith.constant 208 : index
        %get3A_275 = tpu.vector_load %arg8[%get3A_273, %get3A_274] {strides = array<i32>} : memref<136x256xf32, #tpu.memory_space<vmem>>, vector<16xf32>,
        %get3A_276 = arith.index_cast %while3A_167 : i32 to index
        %get3A_277 = arith.constant 224 : index
        %get3A_278 = tpu.vector_load %arg8[%get3A_276, %get3A_277] {strides = array<i32>} : memref<136x256xf32, #tpu.memory_space<vmem>>, vector<16xf32>,
        %get3A_279 = arith.index_cast %while3A_167 : i32 to index
        %get3A_280 = arith.constant 240 : index
        %get3A_281 = tpu.vector_load %arg8[%get3A_279, %get3A_280] {strides = array<i32>} : memref<136x256xf32, #tpu.memory_space<vmem>>, vector<16xf32>,
        %add3A_282 = arith.addf %while3A_169, %get3A_236 : vector<16xf32>
        %select_n3A_283 = arith.select %eq3A_226, %add3A_282, %get3A_236 : vector<16xf32>
        %add3A_284 = arith.addf %while3A_170, %get3A_239 : vector<16xf32>
        %select_n3A_285 = arith.select %eq3A_226, %add3A_284, %get3A_239 : vector<16xf32>
        %add3A_286 = arith.addf %while3A_171, %get3A_242 : vector<16xf32>
        %select_n3A_287 = arith.select %eq3A_226, %add3A_286, %get3A_242 : vector<16xf32>
        %add3A_288 = arith.addf %while3A_172, %get3A_245 : vector<16xf32>
        %select_n3A_289 = arith.select %eq3A_226, %add3A_288, %get3A_245 : vector<16xf32>
        %add3A_290 = arith.addf %while3A_173, %get3A_248 : vector<16xf32>
        %select_n3A_291 = arith.select %eq3A_226, %add3A_290, %get3A_248 : vector<16xf32>
        %add3A_292 = arith.addf %while3A_174, %get3A_251 : vector<16xf32>
        %select_n3A_293 = arith.select %eq3A_226, %add3A_292, %get3A_251 : vector<16xf32>
        %add3A_294 = arith.addf %while3A_175, %get3A_254 : vector<16xf32>
        %select_n3A_295 = arith.select %eq3A_226, %add3A_294, %get3A_254 : vector<16xf32>
        %add3A_296 = arith.addf %while3A_176, %get3A_257 : vector<16xf32>
        %select_n3A_297 = arith.select %eq3A_226, %add3A_296, %get3A_257 : vector<16xf32>
        %add3A_298 = arith.addf %while3A_177, %get3A_260 : vector<16xf32>
        %select_n3A_299 = arith.select %eq3A_226, %add3A_298, %get3A_260 : vector<16xf32>
        %add3A_300 = arith.addf %while3A_178, %get3A_263 : vector<16xf32>
        %select_n3A_301 = arith.select %eq3A_226, %add3A_300, %get3A_263 : vector<16xf32>
        %add3A_302 = arith.addf %while3A_179, %get3A_266 : vector<16xf32>
        %select_n3A_303 = arith.select %eq3A_226, %add3A_302, %get3A_266 : vector<16xf32>
        %add3A_304 = arith.addf %while3A_180, %get3A_269 : vector<16xf32>
        %select_n3A_305 = arith.select %eq3A_226, %add3A_304, %get3A_269 : vector<16xf32>
        %add3A_306 = arith.addf %while3A_181, %get3A_272 : vector<16xf32>
        %select_n3A_307 = arith.select %eq3A_226, %add3A_306, %get3A_272 : vector<16xf32>
        %add3A_308 = arith.addf %while3A_182, %get3A_275 : vector<16xf32>
        %select_n3A_309 = arith.select %eq3A_226, %add3A_308, %get3A_275 : vector<16xf32>
        %add3A_310 = arith.addf %while3A_183, %get3A_278 : vector<16xf32>
        %select_n3A_311 = arith.select %eq3A_226, %add3A_310, %get3A_278 : vector<16xf32>
        %add3A_312 = arith.addf %while3A_184, %get3A_281 : vector<16xf32>
        %select_n3A_313 = arith.select %eq3A_226, %add3A_312, %get3A_281 : vector<16xf32>
        scf.yield %convert_element_type3A_225, %select_n3A_283, %select_n3A_285, %select_n3A_287, %select_n3A_289, %select_n3A_291, %select_n3A_293, %select_n3A_295, %select_n3A_297, %select_n3A_299, %select_n3A_301, %select_n3A_303, %select_n3A_305, %select_n3A_307, %select_n3A_309, %select_n3A_311, %select_n3A_313 : i32, vector<16xf32>, vector<16xf32>, vector<16xf32>, vector<16xf32>, vector<16xf32>, vector<16xf32>, vector<16xf32>, vector<16xf32>, vector<16xf32>, vector<16xf32>, vector<16xf32>, vector<16xf32>, vector<16xf32>, vector<16xf32>, vector<16xf32>, vector<16xf32>
      }
      %while3A_165 = arith.constant 1 : i32
      %while3A_166:17 = scf.for %while3A_167 = %while3A_162 to %while3A_158 step %while3A_165 iter_args(%while3A_168 = %while3A_164#0, %while3A_169 = %while3A_164#1, %while3A_170 = %while3A_164#2, %while3A_171 = %while3A_164#3, %while3A_172 = %while3A_164#4, %while3A_173 = %while3A_164#5, %while3A_174 = %while3A_164#6, %while3A_175 = %while3A_164#7, %while3A_176 = %while3A_164#8, %while3A_177 = %while3A_164#9, %while3A_178 = %while3A_164#10, %while3A_179 = %while3A_164#11, %while3A_180 = %while3A_164#12, %while3A_181 = %while3A_164#13, %while3A_182 = %while3A_164#14, %while3A_183 = %while3A_164#15, %while3A_184 = %while3A_164#16) -> (i32, vector<16xf32>, vector<16xf32>, vector<16xf32>, vector<16xf32>, vector<16xf32>, vector<16xf32>, vector<16xf32>, vector<16xf32>, vector<16xf32>, vector<16xf32>, vector<16xf32>, vector<16xf32>, vector<16xf32>, vector<16xf32>, vector<16xf32>, vector<16xf32>)  : i32 {
        %jit3A_185 = arith.constant 16 : i32
        %div3A_186 = arith.divsi %while3A_167, %jit3A_185 : i32
        %sign3A_187 = arith.constant 0 : i32
        %sign3A_188 = arith.cmpi sgt, %while3A_167, %sign3A_187 : i32
        %sign3A_189 = arith.extui %sign3A_188 : i1 to i32
        %sign3A_190 = arith.constant 0 : i32
        %sign3A_191 = arith.cmpi slt, %while3A_167, %sign3A_190 : i32
        %sign3A_192 = arith.extui %sign3A_191 : i1 to i32
        %sign3A_193 = arith.subi %sign3A_189, %sign3A_192 : i32
        %sign3A_194 = arith.constant 0 : i32
        %sign3A_195 = arith.cmpi sgt, %jit3A_185, %sign3A_194 : i32
        %sign3A_196 = arith.extui %sign3A_195 : i1 to i32
        %sign3A_197 = arith.constant 0 : i32
        %sign3A_198 = arith.cmpi slt, %jit3A_185, %sign3A_197 : i32
        %sign3A_199 = arith.extui %sign3A_198 : i1 to i32
        %sign3A_200 = arith.subi %sign3A_196, %sign3A_199 : i32
        %ne3A_201 = arith.cmpi ne, %sign3A_193, %sign3A_200 : i32
        %rem3A_202 = arith.remsi %while3A_167, %jit3A_185 : i32
        %ne3A_203 = arith.constant 0 : i32
        %ne3A_204 = arith.cmpi ne, %rem3A_202, %ne3A_203 : i32
        %and3A_205 = arith.andi %ne3A_201, %ne3A_204 : i1
        %sub3A_206 = arith.constant 1 : i32
        %sub3A_207 = arith.subi %div3A_186, %sub3A_206 : i32
        %select_n3A_208 = arith.select %and3A_205, %sub3A_207, %div3A_186 : i32
        %mul3A_209 = arith.constant 16 : i32
        %mul3A_210 = arith.muli %select_n3A_208, %mul3A_209 : i32
        %get3A_211 = arith.index_cast %mul3A_210 : i32 to index
        %get3A_212 = tpu.vector_load %arg7[%get3A_211] {strides = array<i32>} : memref<136xi32, #tpu.memory_space<vmem>>, vector<16xi32>,
        %sub3A_213 = arith.subi %while3A_167, %mul3A_210 : i32
        %iota3A_214 = tpu.iota {dimensions = array<i32: 0>} : vector<16xi32>
        %eq3A_215 = vector.broadcast %sub3A_213 : i32 to vector<16xi32>
        %eq3A_216 = arith.cmpi eq, %iota3A_214, %eq3A_215 : vector<16xi32>
        %convert_element_type3A_217 = arith.sitofp %get3A_212 : vector<16xi32> to vector<16xf32>
        %jit3A_218 = arith.constant 0.000000e+00 : f32
        %broadcast_in_dim3A_219 = vector.broadcast %jit3A_218 : f32 to vector<16xf32>
        %select_n3A_220 = arith.select %eq3A_216, %convert_element_type3A_217, %broadcast_in_dim3A_219 : vector<16xi1>, vector<16xf32>
        %reduce_sum3A_221 = arith.constant true
        %reduce_sum3A_222 = vector.broadcast %reduce_sum3A_221 : i1 to vector<16xi1>
        %reduce_sum3A_223 = tpu.scan <sum>, %select_n3A_220 masked %reduce_sum3A_222 : vector<16xf32>, vector<16xi1> -> vector<16xf32>
        %reduce_sum3A_224 = vector.extract %reduce_sum3A_223[15] : f32 from vector<16xf32>
        %convert_element_type3A_225 = arith.fptosi %reduce_sum3A_224 : f32 to i32
        %eq3A_226 = arith.cmpi eq, %convert_element_type3A_225, %while3A_168 : i32
        %ge3A_227 = arith.constant 0 : i32
        %ge3A_228 = arith.cmpi sge, %while3A_168, %ge3A_227 : i32
        %not3A = arith.constant true
        %not3A_229 = arith.xori %eq3A_226, %not3A : i1
        %and3A_230 = arith.andi %ge3A_228, %not3A_229 : i1
        %convert_element_type3A_231 = arith.extui %and3A_230 : i1 to i32
        %cond3A_232 = arith.constant 0 : i32
        %cond3A_233 = arith.cmpi ne, %convert_element_type3A_231, %cond3A_232 : i32
        scf.if %cond3A_233 {
          %sub3A_314 = arith.subi %while3A_168, %mul3A_2 : i32
          %swap3A = arith.index_cast %sub3A_314 : i32 to index
          %swap3A_315 = arith.constant 0 : index
          %swap3A_316 = tpu.vector_load %arg9[%swap3A, %swap3A_315] {strides = array<i32>} : memref<16x256xf32, #tpu.memory_space<vmem>>, vector<16xf32>,
          tpu.vector_store %arg9[%swap3A, %swap3A_315], %while3A_169 {strides = array<i32>} : memref<16x256xf32, #tpu.memory_space<vmem>>, vector<16xf32>,
          %swap3A_317 = arith.index_cast %sub3A_314 : i32 to index
          %swap3A_318 = arith.constant 16 : index
          %swap3A_319 = tpu.vector_load %arg9[%swap3A_317, %swap3A_318] {strides = array<i32>} : memref<16x256xf32, #tpu.memory_space<vmem>>, vector<16xf32>,
          tpu.vector_store %arg9[%swap3A_317, %swap3A_318], %while3A_170 {strides = array<i32>} : memref<16x256xf32, #tpu.memory_space<vmem>>, vector<16xf32>,
          %swap3A_320 = arith.index_cast %sub3A_314 : i32 to index
          %swap3A_321 = arith.constant 32 : index
          %swap3A_322 = tpu.vector_load %arg9[%swap3A_320, %swap3A_321] {strides = array<i32>} : memref<16x256xf32, #tpu.memory_space<vmem>>, vector<16xf32>,
          tpu.vector_store %arg9[%swap3A_320, %swap3A_321], %while3A_171 {strides = array<i32>} : memref<16x256xf32, #tpu.memory_space<vmem>>, vector<16xf32>,
          %swap3A_323 = arith.index_cast %sub3A_314 : i32 to index
          %swap3A_324 = arith.constant 48 : index
          %swap3A_325 = tpu.vector_load %arg9[%swap3A_323, %swap3A_324] {strides = array<i32>} : memref<16x256xf32, #tpu.memory_space<vmem>>, vector<16xf32>,
          tpu.vector_store %arg9[%swap3A_323, %swap3A_324], %while3A_172 {strides = array<i32>} : memref<16x256xf32, #tpu.memory_space<vmem>>, vector<16xf32>,
          %swap3A_326 = arith.index_cast %sub3A_314 : i32 to index
          %swap3A_327 = arith.constant 64 : index
          %swap3A_328 = tpu.vector_load %arg9[%swap3A_326, %swap3A_327] {strides = array<i32>} : memref<16x256xf32, #tpu.memory_space<vmem>>, vector<16xf32>,
          tpu.vector_store %arg9[%swap3A_326, %swap3A_327], %while3A_173 {strides = array<i32>} : memref<16x256xf32, #tpu.memory_space<vmem>>, vector<16xf32>,
          %swap3A_329 = arith.index_cast %sub3A_314 : i32 to index
          %swap3A_330 = arith.constant 80 : index
          %swap3A_331 = tpu.vector_load %arg9[%swap3A_329, %swap3A_330] {strides = array<i32>} : memref<16x256xf32, #tpu.memory_space<vmem>>, vector<16xf32>,
          tpu.vector_store %arg9[%swap3A_329, %swap3A_330], %while3A_174 {strides = array<i32>} : memref<16x256xf32, #tpu.memory_space<vmem>>, vector<16xf32>,
          %swap3A_332 = arith.index_cast %sub3A_314 : i32 to index
          %swap3A_333 = arith.constant 96 : index
          %swap3A_334 = tpu.vector_load %arg9[%swap3A_332, %swap3A_333] {strides = array<i32>} : memref<16x256xf32, #tpu.memory_space<vmem>>, vector<16xf32>,
          tpu.vector_store %arg9[%swap3A_332, %swap3A_333], %while3A_175 {strides = array<i32>} : memref<16x256xf32, #tpu.memory_space<vmem>>, vector<16xf32>,
          %swap3A_335 = arith.index_cast %sub3A_314 : i32 to index
          %swap3A_336 = arith.constant 112 : index
          %swap3A_337 = tpu.vector_load %arg9[%swap3A_335, %swap3A_336] {strides = array<i32>} : memref<16x256xf32, #tpu.memory_space<vmem>>, vector<16xf32>,
          tpu.vector_store %arg9[%swap3A_335, %swap3A_336], %while3A_176 {strides = array<i32>} : memref<16x256xf32, #tpu.memory_space<vmem>>, vector<16xf32>,
          %swap3A_338 = arith.index_cast %sub3A_314 : i32 to index
          %swap3A_339 = arith.constant 128 : index
          %swap3A_340 = tpu.vector_load %arg9[%swap3A_338, %swap3A_339] {strides = array<i32>} : memref<16x256xf32, #tpu.memory_space<vmem>>, vector<16xf32>,
          tpu.vector_store %arg9[%swap3A_338, %swap3A_339], %while3A_177 {strides = array<i32>} : memref<16x256xf32, #tpu.memory_space<vmem>>, vector<16xf32>,
          %swap3A_341 = arith.index_cast %sub3A_314 : i32 to index
          %swap3A_342 = arith.constant 144 : index
          %swap3A_343 = tpu.vector_load %arg9[%swap3A_341, %swap3A_342] {strides = array<i32>} : memref<16x256xf32, #tpu.memory_space<vmem>>, vector<16xf32>,
          tpu.vector_store %arg9[%swap3A_341, %swap3A_342], %while3A_178 {strides = array<i32>} : memref<16x256xf32, #tpu.memory_space<vmem>>, vector<16xf32>,
          %swap3A_344 = arith.index_cast %sub3A_314 : i32 to index
          %swap3A_345 = arith.constant 160 : index
          %swap3A_346 = tpu.vector_load %arg9[%swap3A_344, %swap3A_345] {strides = array<i32>} : memref<16x256xf32, #tpu.memory_space<vmem>>, vector<16xf32>,
          tpu.vector_store %arg9[%swap3A_344, %swap3A_345], %while3A_179 {strides = array<i32>} : memref<16x256xf32, #tpu.memory_space<vmem>>, vector<16xf32>,
          %swap3A_347 = arith.index_cast %sub3A_314 : i32 to index
          %swap3A_348 = arith.constant 176 : index
          %swap3A_349 = tpu.vector_load %arg9[%swap3A_347, %swap3A_348] {strides = array<i32>} : memref<16x256xf32, #tpu.memory_space<vmem>>, vector<16xf32>,
          tpu.vector_store %arg9[%swap3A_347, %swap3A_348], %while3A_180 {strides = array<i32>} : memref<16x256xf32, #tpu.memory_space<vmem>>, vector<16xf32>,
          %swap3A_350 = arith.index_cast %sub3A_314 : i32 to index
          %swap3A_351 = arith.constant 192 : index
          %swap3A_352 = tpu.vector_load %arg9[%swap3A_350, %swap3A_351] {strides = array<i32>} : memref<16x256xf32, #tpu.memory_space<vmem>>, vector<16xf32>,
          tpu.vector_store %arg9[%swap3A_350, %swap3A_351], %while3A_181 {strides = array<i32>} : memref<16x256xf32, #tpu.memory_space<vmem>>, vector<16xf32>,
          %swap3A_353 = arith.index_cast %sub3A_314 : i32 to index
          %swap3A_354 = arith.constant 208 : index
          %swap3A_355 = tpu.vector_load %arg9[%swap3A_353, %swap3A_354] {strides = array<i32>} : memref<16x256xf32, #tpu.memory_space<vmem>>, vector<16xf32>,
          tpu.vector_store %arg9[%swap3A_353, %swap3A_354], %while3A_182 {strides = array<i32>} : memref<16x256xf32, #tpu.memory_space<vmem>>, vector<16xf32>,
          %swap3A_356 = arith.index_cast %sub3A_314 : i32 to index
          %swap3A_357 = arith.constant 224 : index
          %swap3A_358 = tpu.vector_load %arg9[%swap3A_356, %swap3A_357] {strides = array<i32>} : memref<16x256xf32, #tpu.memory_space<vmem>>, vector<16xf32>,
          tpu.vector_store %arg9[%swap3A_356, %swap3A_357], %while3A_183 {strides = array<i32>} : memref<16x256xf32, #tpu.memory_space<vmem>>, vector<16xf32>,
          %swap3A_359 = arith.index_cast %sub3A_314 : i32 to index
          %swap3A_360 = arith.constant 240 : index
          %swap3A_361 = tpu.vector_load %arg9[%swap3A_359, %swap3A_360] {strides = array<i32>} : memref<16x256xf32, #tpu.memory_space<vmem>>, vector<16xf32>,
          tpu.vector_store %arg9[%swap3A_359, %swap3A_360], %while3A_184 {strides = array<i32>} : memref<16x256xf32, #tpu.memory_space<vmem>>, vector<16xf32>,
        } else {
        }
        %get3A_234 = arith.index_cast %while3A_167 : i32 to index
        %get3A_235 = arith.constant 0 : index
        %get3A_236 = tpu.vector_load %arg8[%get3A_234, %get3A_235] {strides = array<i32>} : memref<136x256xf32, #tpu.memory_space<vmem>>, vector<16xf32>,
        %get3A_237 = arith.index_cast %while3A_167 : i32 to index
        %get3A_238 = arith.constant 16 : index
        %get3A_239 = tpu.vector_load %arg8[%get3A_237, %get3A_238] {strides = array<i32>} : memref<136x256xf32, #tpu.memory_space<vmem>>, vector<16xf32>,
        %get3A_240 = arith.index_cast %while3A_167 : i32 to index
        %get3A_241 = arith.constant 32 : index
        %get3A_242 = tpu.vector_load %arg8[%get3A_240, %get3A_241] {strides = array<i32>} : memref<136x256xf32, #tpu.memory_space<vmem>>, vector<16xf32>,
        %get3A_243 = arith.index_cast %while3A_167 : i32 to index
        %get3A_244 = arith.constant 48 : index
        %get3A_245 = tpu.vector_load %arg8[%get3A_243, %get3A_244] {strides = array<i32>} : memref<136x256xf32, #tpu.memory_space<vmem>>, vector<16xf32>,
        %get3A_246 = arith.index_cast %while3A_167 : i32 to index
        %get3A_247 = arith.constant 64 : index
        %get3A_248 = tpu.vector_load %arg8[%get3A_246, %get3A_247] {strides = array<i32>} : memref<136x256xf32, #tpu.memory_space<vmem>>, vector<16xf32>,
        %get3A_249 = arith.index_cast %while3A_167 : i32 to index
        %get3A_250 = arith.constant 80 : index
        %get3A_251 = tpu.vector_load %arg8[%get3A_249, %get3A_250] {strides = array<i32>} : memref<136x256xf32, #tpu.memory_space<vmem>>, vector<16xf32>,
        %get3A_252 = arith.index_cast %while3A_167 : i32 to index
        %get3A_253 = arith.constant 96 : index
        %get3A_254 = tpu.vector_load %arg8[%get3A_252, %get3A_253] {strides = array<i32>} : memref<136x256xf32, #tpu.memory_space<vmem>>, vector<16xf32>,
        %get3A_255 = arith.index_cast %while3A_167 : i32 to index
        %get3A_256 = arith.constant 112 : index
        %get3A_257 = tpu.vector_load %arg8[%get3A_255, %get3A_256] {strides = array<i32>} : memref<136x256xf32, #tpu.memory_space<vmem>>, vector<16xf32>,
        %get3A_258 = arith.index_cast %while3A_167 : i32 to index
        %get3A_259 = arith.constant 128 : index
        %get3A_260 = tpu.vector_load %arg8[%get3A_258, %get3A_259] {strides = array<i32>} : memref<136x256xf32, #tpu.memory_space<vmem>>, vector<16xf32>,
        %get3A_261 = arith.index_cast %while3A_167 : i32 to index
        %get3A_262 = arith.constant 144 : index
        %get3A_263 = tpu.vector_load %arg8[%get3A_261, %get3A_262] {strides = array<i32>} : memref<136x256xf32, #tpu.memory_space<vmem>>, vector<16xf32>,
        %get3A_264 = arith.index_cast %while3A_167 : i32 to index
        %get3A_265 = arith.constant 160 : index
        %get3A_266 = tpu.vector_load %arg8[%get3A_264, %get3A_265] {strides = array<i32>} : memref<136x256xf32, #tpu.memory_space<vmem>>, vector<16xf32>,
        %get3A_267 = arith.index_cast %while3A_167 : i32 to index
        %get3A_268 = arith.constant 176 : index
        %get3A_269 = tpu.vector_load %arg8[%get3A_267, %get3A_268] {strides = array<i32>} : memref<136x256xf32, #tpu.memory_space<vmem>>, vector<16xf32>,
        %get3A_270 = arith.index_cast %while3A_167 : i32 to index
        %get3A_271 = arith.constant 192 : index
        %get3A_272 = tpu.vector_load %arg8[%get3A_270, %get3A_271] {strides = array<i32>} : memref<136x256xf32, #tpu.memory_space<vmem>>, vector<16xf32>,
        %get3A_273 = arith.index_cast %while3A_167 : i32 to index
        %get3A_274 = arith.constant 208 : index
        %get3A_275 = tpu.vector_load %arg8[%get3A_273, %get3A_274] {strides = array<i32>} : memref<136x256xf32, #tpu.memory_space<vmem>>, vector<16xf32>,
        %get3A_276 = arith.index_cast %while3A_167 : i32 to index
        %get3A_277 = arith.constant 224 : index
        %get3A_278 = tpu.vector_load %arg8[%get3A_276, %get3A_277] {strides = array<i32>} : memref<136x256xf32, #tpu.memory_space<vmem>>, vector<16xf32>,
        %get3A_279 = arith.index_cast %while3A_167 : i32 to index
        %get3A_280 = arith.constant 240 : index
        %get3A_281 = tpu.vector_load %arg8[%get3A_279, %get3A_280] {strides = array<i32>} : memref<136x256xf32, #tpu.memory_space<vmem>>, vector<16xf32>,
        %add3A_282 = arith.addf %while3A_169, %get3A_236 : vector<16xf32>
        %select_n3A_283 = arith.select %eq3A_226, %add3A_282, %get3A_236 : vector<16xf32>
        %add3A_284 = arith.addf %while3A_170, %get3A_239 : vector<16xf32>
        %select_n3A_285 = arith.select %eq3A_226, %add3A_284, %get3A_239 : vector<16xf32>
        %add3A_286 = arith.addf %while3A_171, %get3A_242 : vector<16xf32>
        %select_n3A_287 = arith.select %eq3A_226, %add3A_286, %get3A_242 : vector<16xf32>
        %add3A_288 = arith.addf %while3A_172, %get3A_245 : vector<16xf32>
        %select_n3A_289 = arith.select %eq3A_226, %add3A_288, %get3A_245 : vector<16xf32>
        %add3A_290 = arith.addf %while3A_173, %get3A_248 : vector<16xf32>
        %select_n3A_291 = arith.select %eq3A_226, %add3A_290, %get3A_248 : vector<16xf32>
        %add3A_292 = arith.addf %while3A_174, %get3A_251 : vector<16xf32>
        %select_n3A_293 = arith.select %eq3A_226, %add3A_292, %get3A_251 : vector<16xf32>
        %add3A_294 = arith.addf %while3A_175, %get3A_254 : vector<16xf32>
        %select_n3A_295 = arith.select %eq3A_226, %add3A_294, %get3A_254 : vector<16xf32>
        %add3A_296 = arith.addf %while3A_176, %get3A_257 : vector<16xf32>
        %select_n3A_297 = arith.select %eq3A_226, %add3A_296, %get3A_257 : vector<16xf32>
        %add3A_298 = arith.addf %while3A_177, %get3A_260 : vector<16xf32>
        %select_n3A_299 = arith.select %eq3A_226, %add3A_298, %get3A_260 : vector<16xf32>
        %add3A_300 = arith.addf %while3A_178, %get3A_263 : vector<16xf32>
        %select_n3A_301 = arith.select %eq3A_226, %add3A_300, %get3A_263 : vector<16xf32>
        %add3A_302 = arith.addf %while3A_179, %get3A_266 : vector<16xf32>
        %select_n3A_303 = arith.select %eq3A_226, %add3A_302, %get3A_266 : vector<16xf32>
        %add3A_304 = arith.addf %while3A_180, %get3A_269 : vector<16xf32>
        %select_n3A_305 = arith.select %eq3A_226, %add3A_304, %get3A_269 : vector<16xf32>
        %add3A_306 = arith.addf %while3A_181, %get3A_272 : vector<16xf32>
        %select_n3A_307 = arith.select %eq3A_226, %add3A_306, %get3A_272 : vector<16xf32>
        %add3A_308 = arith.addf %while3A_182, %get3A_275 : vector<16xf32>
        %select_n3A_309 = arith.select %eq3A_226, %add3A_308, %get3A_275 : vector<16xf32>
        %add3A_310 = arith.addf %while3A_183, %get3A_278 : vector<16xf32>
        %select_n3A_311 = arith.select %eq3A_226, %add3A_310, %get3A_278 : vector<16xf32>
        %add3A_312 = arith.addf %while3A_184, %get3A_281 : vector<16xf32>
        %select_n3A_313 = arith.select %eq3A_226, %add3A_312, %get3A_281 : vector<16xf32>
        scf.yield %convert_element_type3A_225, %select_n3A_283, %select_n3A_285, %select_n3A_287, %select_n3A_289, %select_n3A_291, %select_n3A_293, %select_n3A_295, %select_n3A_297, %select_n3A_299, %select_n3A_301, %select_n3A_303, %select_n3A_305, %select_n3A_307, %select_n3A_309, %select_n3A_311, %select_n3A_313 : i32, vector<16xf32>, vector<16xf32>, vector<16xf32>, vector<16xf32>, vector<16xf32>, vector<16xf32>, vector<16xf32>, vector<16xf32>, vector<16xf32>, vector<16xf32>, vector<16xf32>, vector<16xf32>, vector<16xf32>, vector<16xf32>, vector<16xf32>, vector<16xf32>
      }
      scf.yield %while3A_166#0, %while3A_166#1, %while3A_166#2, %while3A_166#3, %while3A_166#4, %while3A_166#5, %while3A_166#6, %while3A_166#7, %while3A_166#8, %while3A_166#9, %while3A_166#10, %while3A_166#11, %while3A_166#12, %while3A_166#13, %while3A_166#14, %while3A_166#15, %while3A_166#16 : i32, vector<16xf32>, vector<16xf32>, vector<16xf32>, vector<16xf32>, vector<16xf32>, vector<16xf32>, vector<16xf32>, vector<16xf32>, vector<16xf32>, vector<16xf32>, vector<16xf32>, vector<16xf32>, vector<16xf32>, vector<16xf32>, vector<16xf32>, vector<16xf32>
    }
    %ge3A = arith.constant 0 : i32
    %ge3A_101 = arith.cmpi sge, %while3A_100#0, %ge3A : i32
    %convert_element_type3A_102 = arith.extui %ge3A_101 : i1 to i32
    %cond3A = arith.constant 0 : i32
    %cond3A_103 = arith.cmpi ne, %convert_element_type3A_102, %cond3A : i32
    scf.if %cond3A_103 {
      %sub3A_104 = arith.subi %while3A_100#0, %mul3A_2 : i32
      %swap3A = arith.index_cast %sub3A_104 : i32 to index
      %swap3A_105 = arith.constant 0 : index
      %swap3A_106 = tpu.vector_load %arg9[%swap3A, %swap3A_105] {strides = array<i32>} : memref<16x256xf32, #tpu.memory_space<vmem>>, vector<16xf32>,
      tpu.vector_store %arg9[%swap3A, %swap3A_105], %while3A_100#1 {strides = array<i32>} : memref<16x256xf32, #tpu.memory_space<vmem>>, vector<16xf32>,
      %swap3A_107 = arith.index_cast %sub3A_104 : i32 to index
      %swap3A_108 = arith.constant 16 : index
      %swap3A_109 = tpu.vector_load %arg9[%swap3A_107, %swap3A_108] {strides = array<i32>} : memref<16x256xf32, #tpu.memory_space<vmem>>, vector<16xf32>,
      tpu.vector_store %arg9[%swap3A_107, %swap3A_108], %while3A_100#2 {strides = array<i32>} : memref<16x256xf32, #tpu.memory_space<vmem>>, vector<16xf32>,
      %swap3A_110 = arith.index_cast %sub3A_104 : i32 to index
      %swap3A_111 = arith.constant 32 : index
      %swap3A_112 = tpu.vector_load %arg9[%swap3A_110, %swap3A_111] {strides = array<i32>} : memref<16x256xf32, #tpu.memory_space<vmem>>, vector<16xf32>,
      tpu.vector_store %arg9[%swap3A_110, %swap3A_111], %while3A_100#3 {strides = array<i32>} : memref<16x256xf32, #tpu.memory_space<vmem>>, vector<16xf32>,
      %swap3A_113 = arith.index_cast %sub3A_104 : i32 to index
      %swap3A_114 = arith.constant 48 : index
      %swap3A_115 = tpu.vector_load %arg9[%swap3A_113, %swap3A_114] {strides = array<i32>} : memref<16x256xf32, #tpu.memory_space<vmem>>, vector<16xf32>,
      tpu.vector_store %arg9[%swap3A_113, %swap3A_114], %while3A_100#4 {strides = array<i32>} : memref<16x256xf32, #tpu.memory_space<vmem>>, vector<16xf32>,
      %swap3A_116 = arith.index_cast %sub3A_104 : i32 to index
      %swap3A_117 = arith.constant 64 : index
      %swap3A_118 = tpu.vector_load %arg9[%swap3A_116, %swap3A_117] {strides = array<i32>} : memref<16x256xf32, #tpu.memory_space<vmem>>, vector<16xf32>,
      tpu.vector_store %arg9[%swap3A_116, %swap3A_117], %while3A_100#5 {strides = array<i32>} : memref<16x256xf32, #tpu.memory_space<vmem>>, vector<16xf32>,
      %swap3A_119 = arith.index_cast %sub3A_104 : i32 to index
      %swap3A_120 = arith.constant 80 : index
      %swap3A_121 = tpu.vector_load %arg9[%swap3A_119, %swap3A_120] {strides = array<i32>} : memref<16x256xf32, #tpu.memory_space<vmem>>, vector<16xf32>,
      tpu.vector_store %arg9[%swap3A_119, %swap3A_120], %while3A_100#6 {strides = array<i32>} : memref<16x256xf32, #tpu.memory_space<vmem>>, vector<16xf32>,
      %swap3A_122 = arith.index_cast %sub3A_104 : i32 to index
      %swap3A_123 = arith.constant 96 : index
      %swap3A_124 = tpu.vector_load %arg9[%swap3A_122, %swap3A_123] {strides = array<i32>} : memref<16x256xf32, #tpu.memory_space<vmem>>, vector<16xf32>,
      tpu.vector_store %arg9[%swap3A_122, %swap3A_123], %while3A_100#7 {strides = array<i32>} : memref<16x256xf32, #tpu.memory_space<vmem>>, vector<16xf32>,
      %swap3A_125 = arith.index_cast %sub3A_104 : i32 to index
      %swap3A_126 = arith.constant 112 : index
      %swap3A_127 = tpu.vector_load %arg9[%swap3A_125, %swap3A_126] {strides = array<i32>} : memref<16x256xf32, #tpu.memory_space<vmem>>, vector<16xf32>,
      tpu.vector_store %arg9[%swap3A_125, %swap3A_126], %while3A_100#8 {strides = array<i32>} : memref<16x256xf32, #tpu.memory_space<vmem>>, vector<16xf32>,
      %swap3A_128 = arith.index_cast %sub3A_104 : i32 to index
      %swap3A_129 = arith.constant 128 : index
      %swap3A_130 = tpu.vector_load %arg9[%swap3A_128, %swap3A_129] {strides = array<i32>} : memref<16x256xf32, #tpu.memory_space<vmem>>, vector<16xf32>,
      tpu.vector_store %arg9[%swap3A_128, %swap3A_129], %while3A_100#9 {strides = array<i32>} : memref<16x256xf32, #tpu.memory_space<vmem>>, vector<16xf32>,
      %swap3A_131 = arith.index_cast %sub3A_104 : i32 to index
      %swap3A_132 = arith.constant 144 : index
      %swap3A_133 = tpu.vector_load %arg9[%swap3A_131, %swap3A_132] {strides = array<i32>} : memref<16x256xf32, #tpu.memory_space<vmem>>, vector<16xf32>,
      tpu.vector_store %arg9[%swap3A_131, %swap3A_132], %while3A_100#10 {strides = array<i32>} : memref<16x256xf32, #tpu.memory_space<vmem>>, vector<16xf32>,
      %swap3A_134 = arith.index_cast %sub3A_104 : i32 to index
      %swap3A_135 = arith.constant 160 : index
      %swap3A_136 = tpu.vector_load %arg9[%swap3A_134, %swap3A_135] {strides = array<i32>} : memref<16x256xf32, #tpu.memory_space<vmem>>, vector<16xf32>,
      tpu.vector_store %arg9[%swap3A_134, %swap3A_135], %while3A_100#11 {strides = array<i32>} : memref<16x256xf32, #tpu.memory_space<vmem>>, vector<16xf32>,
      %swap3A_137 = arith.index_cast %sub3A_104 : i32 to index
      %swap3A_138 = arith.constant 176 : index
      %swap3A_139 = tpu.vector_load %arg9[%swap3A_137, %swap3A_138] {strides = array<i32>} : memref<16x256xf32, #tpu.memory_space<vmem>>, vector<16xf32>,
      tpu.vector_store %arg9[%swap3A_137, %swap3A_138], %while3A_100#12 {strides = array<i32>} : memref<16x256xf32, #tpu.memory_space<vmem>>, vector<16xf32>,
      %swap3A_140 = arith.index_cast %sub3A_104 : i32 to index
      %swap3A_141 = arith.constant 192 : index
      %swap3A_142 = tpu.vector_load %arg9[%swap3A_140, %swap3A_141] {strides = array<i32>} : memref<16x256xf32, #tpu.memory_space<vmem>>, vector<16xf32>,
      tpu.vector_store %arg9[%swap3A_140, %swap3A_141], %while3A_100#13 {strides = array<i32>} : memref<16x256xf32, #tpu.memory_space<vmem>>, vector<16xf32>,
      %swap3A_143 = arith.index_cast %sub3A_104 : i32 to index
      %swap3A_144 = arith.constant 208 : index
      %swap3A_145 = tpu.vector_load %arg9[%swap3A_143, %swap3A_144] {strides = array<i32>} : memref<16x256xf32, #tpu.memory_space<vmem>>, vector<16xf32>,
      tpu.vector_store %arg9[%swap3A_143, %swap3A_144], %while3A_100#14 {strides = array<i32>} : memref<16x256xf32, #tpu.memory_space<vmem>>, vector<16xf32>,
      %swap3A_146 = arith.index_cast %sub3A_104 : i32 to index
      %swap3A_147 = arith.constant 224 : index
      %swap3A_148 = tpu.vector_load %arg9[%swap3A_146, %swap3A_147] {strides = array<i32>} : memref<16x256xf32, #tpu.memory_space<vmem>>, vector<16xf32>,
      tpu.vector_store %arg9[%swap3A_146, %swap3A_147], %while3A_100#15 {strides = array<i32>} : memref<16x256xf32, #tpu.memory_space<vmem>>, vector<16xf32>,
      %swap3A_149 = arith.index_cast %sub3A_104 : i32 to index
      %swap3A_150 = arith.constant 240 : index
      %swap3A_151 = tpu.vector_load %arg9[%swap3A_149, %swap3A_150] {strides = array<i32>} : memref<16x256xf32, #tpu.memory_space<vmem>>, vector<16xf32>,
      tpu.vector_store %arg9[%swap3A_149, %swap3A_150], %while3A_100#16 {strides = array<i32>} : memref<16x256xf32, #tpu.memory_space<vmem>>, vector<16xf32>,
    } else {
    }
    "tpu.region"() ({
      %run_scoped3A = tpu.sem_alloc : memref<!tpu.dma_semaphore, #tpu.memory_space<semaphore_mem>>
      %dma_start3A = arith.constant 0 : i32
      %dma_start3A_104 = tpu.memref_slice %arg5[%mul3A_2, %dma_start3A] : memref<512x256xf32, #tpu.memory_space<hbm>> -> memref<16x256xf32, #tpu.memory_space<hbm>>
      %dma_start3A_105 = arith.constant 0 : i32
      %dma_start3A_106 = tpu.memref_slice %arg5[%mul3A_2, %dma_start3A_105] : memref<512x256xf32, #tpu.memory_space<hbm>> -> memref<16x256xf32, #tpu.memory_space<hbm>>
      tpu.enqueue_dma source(%arg9 : memref<16x256xf32, #tpu.memory_space<vmem>>) target(%dma_start3A_106 : memref<16x256xf32, #tpu.memory_space<hbm>>) target_semaphore(%run_scoped3A : memref<!tpu.dma_semaphore, #tpu.memory_space<semaphore_mem>>)
      %dma_wait3A = arith.constant 0 : i32
      %dma_wait3A_107 = tpu.memref_slice %arg5[%mul3A_2, %dma_wait3A] : memref<512x256xf32, #tpu.memory_space<hbm>> -> memref<16x256xf32, #tpu.memory_space<hbm>>
      %dma_wait3A_108 = arith.constant 0 : i32
      %dma_wait3A_109 = tpu.memref_slice %arg5[%mul3A_2, %dma_wait3A_108] : memref<512x256xf32, #tpu.memory_space<hbm>> -> memref<16x256xf32, #tpu.memory_space<hbm>>
      tpu.wait_dma2 semaphore(%run_scoped3A : memref<!tpu.dma_semaphore, #tpu.memory_space<semaphore_mem>>) src(%arg9 : memref<16x256xf32, #tpu.memory_space<vmem>>) dst(%dma_wait3A_109 : memref<16x256xf32, #tpu.memory_space<hbm>>)
      tpu.yield
    }) : () -> ()
    return
  }
}

module attributes {stable_mosaic.version = 14 : i64} {
  func.func @_mlp_body(%arg0: i32, %arg1: memref<1280x128xf32, #tpu.memory_space<vmem>>, %arg2: memref<128x256xf32, #tpu.memory_space<vmem>>, %arg3: memref<1x256xf32, #tpu.memory_space<vmem>>, %arg4: memref<1280x256xf32, #tpu.memory_space<vmem>>) attributes {dimension_semantics = [#tpu.dimension_semantics<arbitrary>], iteration_bounds = array<i64: 250>, scalar_prefetch = 0 : i64, scratch_operands = 0 : i64, tpu.core_type = #tpu.core_type<tc>, window_params = [{transform_indices = @transform_0, window_bounds = array<i64: 1280, 128>}, {pipeline_mode = #tpu.pipeline_mode<synchronous>, transform_indices = @transform_1, window_bounds = array<i64: 128, 256>}, {pipeline_mode = #tpu.pipeline_mode<synchronous>, transform_indices = @transform_2, window_bounds = array<i64: 1, 256>}, {transform_indices = @transform_3, window_bounds = array<i64: 1280, 256>}]} {
    %get3A = arith.constant 0 : index
    %get3A_0 = arith.constant 0 : index
    %get3A_1 = vector.load %arg1[%get3A, %get3A_0] : memref<1280x128xf32, #tpu.memory_space<vmem>>, vector<1280x128xf32>
    %get3A_2 = arith.constant 0 : index
    %get3A_3 = arith.constant 0 : index
    %get3A_4 = vector.load %arg2[%get3A_2, %get3A_3] : memref<128x256xf32, #tpu.memory_space<vmem>>, vector<128x256xf32>
    %dot_general3A = arith.constant dense<0.000000e+00> : vector<1280x256xf32>
    %dot_general3A_5 = tpu.matmul %get3A_1, %get3A_4, %dot_general3A {dimension_numbers = #tpu.dot_dimension_numbers<[1], [0], [0], [1], [0, 0, 1, 1], [], []>, transpose_lhs_hint = false} : vector<1280x128xf32>, vector<128x256xf32>, vector<1280x256xf32> -> vector<1280x256xf32>
    %get3A_6 = arith.constant 0 : index
    %get3A_7 = arith.constant 0 : index
    %get3A_8 = vector.load %arg3[%get3A_6, %get3A_7] : memref<1x256xf32, #tpu.memory_space<vmem>>, vector<1x256xf32>
    %add3A = vector.broadcast %get3A_8 : vector<1x256xf32> to vector<1280x256xf32>
    %add3A_9 = arith.addf %dot_general3A_5, %add3A : vector<1280x256xf32>
    %abs3A = math.absf %add3A_9 : vector<1280x256xf32>
    %neg3A = arith.constant 0.000000e+00 : f32
    %neg3A_10 = vector.broadcast %neg3A : f32 to vector<1280x256xf32>
    %neg3A_11 = arith.subf %neg3A_10, %abs3A : vector<1280x256xf32>
    %mul3A = arith.constant 1.44269502 : f32
    %mul3A_12 = vector.broadcast %mul3A : f32 to vector<1280x256xf32>
    %mul3A_13 = arith.mulf %neg3A_11, %mul3A_12 : vector<1280x256xf32>
    %exp23A = math.exp2 %mul3A_13 : vector<1280x256xf32>
    %max3A = arith.constant 0.000000e+00 : f32
    %max3A_14 = vector.broadcast %max3A : f32 to vector<1280x256xf32>
    %max3A_15 = arith.maximumf %add3A_9, %max3A_14 : vector<1280x256xf32>
    %add3A_16 = arith.constant 1.000000e+00 : f32
    %add3A_17 = vector.broadcast %add3A_16 : f32 to vector<1280x256xf32>
    %add3A_18 = arith.addf %add3A_17, %exp23A : vector<1280x256xf32>
    %log3A = math.log %add3A_18 : vector<1280x256xf32>
    %log3A_19 = arith.constant 2.000000e+00 : f32
    %log3A_20 = math.log %log3A_19 : f32
    %div3A = vector.broadcast %log3A_20 : f32 to vector<1280x256xf32>
    %div3A_21 = arith.divf %log3A, %div3A : vector<1280x256xf32>
    %mul3A_22 = arith.constant 0.693147182 : f32
    %mul3A_23 = vector.broadcast %mul3A_22 : f32 to vector<1280x256xf32>
    %mul3A_24 = arith.mulf %mul3A_23, %div3A_21 : vector<1280x256xf32>
    %add3A_25 = arith.addf %max3A_15, %mul3A_24 : vector<1280x256xf32>
    %swap3A = arith.constant 0 : index
    %swap3A_26 = arith.constant 0 : index
    %swap3A_27 = vector.load %arg4[%swap3A, %swap3A_26] : memref<1280x256xf32, #tpu.memory_space<vmem>>, vector<1280x256xf32>
    tpu.vector_store %arg4[%swap3A, %swap3A_26], %add3A_25 {strides = array<i32>} : memref<1280x256xf32, #tpu.memory_space<vmem>>, vector<1280x256xf32>,
    return
  }
  func.func @transform_0(%arg0: i32) -> (i32, i32) {
    %c0_i32 = arith.constant 0 : i32
    %c0_i32_0 = arith.constant 0 : i32
    return %arg0, %c0_i32 : i32, i32
  }
  func.func @transform_1(%arg0: i32) -> (i32, i32) {
    %c0_i32 = arith.constant 0 : i32
    %c0_i32_0 = arith.constant 0 : i32
    %c0_i32_1 = arith.constant 0 : i32
    return %c0_i32, %c0_i32_0 : i32, i32
  }
  func.func @transform_2(%arg0: i32) -> (i32, i32) {
    %c0_i32 = arith.constant 0 : i32
    %c0_i32_0 = arith.constant 0 : i32
    %c0_i32_1 = arith.constant 0 : i32
    return %c0_i32, %c0_i32_0 : i32, i32
  }
  func.func @transform_3(%arg0: i32) -> (i32, i32) {
    %c0_i32 = arith.constant 0 : i32
    %c0_i32_0 = arith.constant 0 : i32
    return %arg0, %c0_i32 : i32, i32
  }
}

module attributes {stable_mosaic.version = 14 : i64} {
  func.func @_count_body(%arg0: i32, %arg1: memref<2504x128xi32, #tpu.memory_space<vmem>>, %arg2: memref<1x128xi32, #tpu.memory_space<vmem>>) attributes {dimension_semantics = [#tpu.dimension_semantics<arbitrary>], iteration_bounds = array<i64: 1>, scalar_prefetch = 0 : i64, scratch_operands = 0 : i64, tpu.core_type = #tpu.core_type<tc>, window_params = [{pipeline_mode = #tpu.pipeline_mode<synchronous>, transform_indices = @transform_0, window_bounds = array<i64: 2504, 128>}, {pipeline_mode = #tpu.pipeline_mode<synchronous>, transform_indices = @transform_1, window_bounds = array<i64: 1, 128>}]} {
    %get3A = arith.constant 0 : index
    %get3A_0 = arith.constant 0 : index
    %get3A_1 = vector.load %arg1[%get3A, %get3A_0] : memref<2504x128xi32, #tpu.memory_space<vmem>>, vector<2504x128xi32>
    %iota3A = tpu.iota {dimensions = array<i32: 1>} : vector<1x128xi32>
    %broadcast_in_dim3A = arith.constant 0.000000e+00 : f32
    %broadcast_in_dim3A_2 = vector.broadcast %broadcast_in_dim3A : f32 to vector<1x128xf32>
    %lt3A = arith.constant 0 : i32
    %lt3A_3 = vector.broadcast %lt3A : i32 to vector<2504x128xi32>
    %lt3A_4 = arith.cmpi slt, %get3A_1, %lt3A_3 : vector<2504x128xi32>
    %convert_element_type3A = arith.extui %lt3A_4 : vector<2504x128xi1> to vector<2504x128xi32>
    %convert_element_type3A_5 = arith.sitofp %convert_element_type3A : vector<2504x128xi32> to vector<2504x128xf32>
    %reduce_sum3A = vector.shape_cast %convert_element_type3A_5 : vector<2504x128xf32> to vector<1x2504x128xf32>
    %reduce_sum3A_6 = arith.constant dense<0.000000e+00> : vector<1xf32>
    %reduce_sum3A_7 = vector.multi_reduction <add>, %reduce_sum3A, %reduce_sum3A_6 [1, 2] : vector<1x2504x128xf32> to vector<1xf32>
    %reduce_sum3A_8 = vector.shape_cast %reduce_sum3A_7 : vector<1xf32> to vector<1x1x1xf32>
    %reduce_sum3A_9 = vector.extract %reduce_sum3A_8[0, 0, 0] : f32 from vector<1x1x1xf32>
    %eq3A = arith.constant 0 : i32
    %eq3A_10 = vector.broadcast %eq3A : i32 to vector<1x128xi32>
    %eq3A_11 = arith.cmpi eq, %iota3A, %eq3A_10 : vector<1x128xi32>
    %jit3A = arith.constant 0.000000e+00 : f32
    %broadcast_in_dim3A_12 = vector.broadcast %reduce_sum3A_9 : f32 to vector<1x128xf32>
    %broadcast_in_dim3A_13 = vector.broadcast %jit3A : f32 to vector<1x128xf32>
    %select_n3A = arith.select %eq3A_11, %broadcast_in_dim3A_12, %broadcast_in_dim3A_13 : vector<1x128xi1>, vector<1x128xf32>
    %add3A = arith.addf %broadcast_in_dim3A_2, %select_n3A : vector<1x128xf32>
    %lt3A_14 = arith.constant 16 : i32
    %lt3A_15 = vector.broadcast %lt3A_14 : i32 to vector<2504x128xi32>
    %lt3A_16 = arith.cmpi slt, %get3A_1, %lt3A_15 : vector<2504x128xi32>
    %convert_element_type3A_17 = arith.extui %lt3A_16 : vector<2504x128xi1> to vector<2504x128xi32>
    %convert_element_type3A_18 = arith.sitofp %convert_element_type3A_17 : vector<2504x128xi32> to vector<2504x128xf32>
    %reduce_sum3A_19 = vector.shape_cast %convert_element_type3A_18 : vector<2504x128xf32> to vector<1x2504x128xf32>
    %reduce_sum3A_20 = arith.constant dense<0.000000e+00> : vector<1xf32>
    %reduce_sum3A_21 = vector.multi_reduction <add>, %reduce_sum3A_19, %reduce_sum3A_20 [1, 2] : vector<1x2504x128xf32> to vector<1xf32>
    %reduce_sum3A_22 = vector.shape_cast %reduce_sum3A_21 : vector<1xf32> to vector<1x1x1xf32>
    %reduce_sum3A_23 = vector.extract %reduce_sum3A_22[0, 0, 0] : f32 from vector<1x1x1xf32>
    %eq3A_24 = arith.constant 1 : i32
    %eq3A_25 = vector.broadcast %eq3A_24 : i32 to vector<1x128xi32>
    %eq3A_26 = arith.cmpi eq, %iota3A, %eq3A_25 : vector<1x128xi32>
    %jit3A_27 = arith.constant 0.000000e+00 : f32
    %broadcast_in_dim3A_28 = vector.broadcast %reduce_sum3A_23 : f32 to vector<1x128xf32>
    %broadcast_in_dim3A_29 = vector.broadcast %jit3A_27 : f32 to vector<1x128xf32>
    %select_n3A_30 = arith.select %eq3A_26, %broadcast_in_dim3A_28, %broadcast_in_dim3A_29 : vector<1x128xi1>, vector<1x128xf32>
    %add3A_31 = arith.addf %add3A, %select_n3A_30 : vector<1x128xf32>
    %lt3A_32 = arith.constant 32 : i32
    %lt3A_33 = vector.broadcast %lt3A_32 : i32 to vector<2504x128xi32>
    %lt3A_34 = arith.cmpi slt, %get3A_1, %lt3A_33 : vector<2504x128xi32>
    %convert_element_type3A_35 = arith.extui %lt3A_34 : vector<2504x128xi1> to vector<2504x128xi32>
    %convert_element_type3A_36 = arith.sitofp %convert_element_type3A_35 : vector<2504x128xi32> to vector<2504x128xf32>
    %reduce_sum3A_37 = vector.shape_cast %convert_element_type3A_36 : vector<2504x128xf32> to vector<1x2504x128xf32>
    %reduce_sum3A_38 = arith.constant dense<0.000000e+00> : vector<1xf32>
    %reduce_sum3A_39 = vector.multi_reduction <add>, %reduce_sum3A_37, %reduce_sum3A_38 [1, 2] : vector<1x2504x128xf32> to vector<1xf32>
    %reduce_sum3A_40 = vector.shape_cast %reduce_sum3A_39 : vector<1xf32> to vector<1x1x1xf32>
    %reduce_sum3A_41 = vector.extract %reduce_sum3A_40[0, 0, 0] : f32 from vector<1x1x1xf32>
    %eq3A_42 = arith.constant 2 : i32
    %eq3A_43 = vector.broadcast %eq3A_42 : i32 to vector<1x128xi32>
    %eq3A_44 = arith.cmpi eq, %iota3A, %eq3A_43 : vector<1x128xi32>
    %jit3A_45 = arith.constant 0.000000e+00 : f32
    %broadcast_in_dim3A_46 = vector.broadcast %reduce_sum3A_41 : f32 to vector<1x128xf32>
    %broadcast_in_dim3A_47 = vector.broadcast %jit3A_45 : f32 to vector<1x128xf32>
    %select_n3A_48 = arith.select %eq3A_44, %broadcast_in_dim3A_46, %broadcast_in_dim3A_47 : vector<1x128xi1>, vector<1x128xf32>
    %add3A_49 = arith.addf %add3A_31, %select_n3A_48 : vector<1x128xf32>
    %lt3A_50 = arith.constant 48 : i32
    %lt3A_51 = vector.broadcast %lt3A_50 : i32 to vector<2504x128xi32>
    %lt3A_52 = arith.cmpi slt, %get3A_1, %lt3A_51 : vector<2504x128xi32>
    %convert_element_type3A_53 = arith.extui %lt3A_52 : vector<2504x128xi1> to vector<2504x128xi32>
    %convert_element_type3A_54 = arith.sitofp %convert_element_type3A_53 : vector<2504x128xi32> to vector<2504x128xf32>
    %reduce_sum3A_55 = vector.shape_cast %convert_element_type3A_54 : vector<2504x128xf32> to vector<1x2504x128xf32>
    %reduce_sum3A_56 = arith.constant dense<0.000000e+00> : vector<1xf32>
    %reduce_sum3A_57 = vector.multi_reduction <add>, %reduce_sum3A_55, %reduce_sum3A_56 [1, 2] : vector<1x2504x128xf32> to vector<1xf32>
    %reduce_sum3A_58 = vector.shape_cast %reduce_sum3A_57 : vector<1xf32> to vector<1x1x1xf32>
    %reduce_sum3A_59 = vector.extract %reduce_sum3A_58[0, 0, 0] : f32 from vector<1x1x1xf32>
    %eq3A_60 = arith.constant 3 : i32
    %eq3A_61 = vector.broadcast %eq3A_60 : i32 to vector<1x128xi32>
    %eq3A_62 = arith.cmpi eq, %iota3A, %eq3A_61 : vector<1x128xi32>
    %jit3A_63 = arith.constant 0.000000e+00 : f32
    %broadcast_in_dim3A_64 = vector.broadcast %reduce_sum3A_59 : f32 to vector<1x128xf32>
    %broadcast_in_dim3A_65 = vector.broadcast %jit3A_63 : f32 to vector<1x128xf32>
    %select_n3A_66 = arith.select %eq3A_62, %broadcast_in_dim3A_64, %broadcast_in_dim3A_65 : vector<1x128xi1>, vector<1x128xf32>
    %add3A_67 = arith.addf %add3A_49, %select_n3A_66 : vector<1x128xf32>
    %lt3A_68 = arith.constant 64 : i32
    %lt3A_69 = vector.broadcast %lt3A_68 : i32 to vector<2504x128xi32>
    %lt3A_70 = arith.cmpi slt, %get3A_1, %lt3A_69 : vector<2504x128xi32>
    %convert_element_type3A_71 = arith.extui %lt3A_70 : vector<2504x128xi1> to vector<2504x128xi32>
    %convert_element_type3A_72 = arith.sitofp %convert_element_type3A_71 : vector<2504x128xi32> to vector<2504x128xf32>
    %reduce_sum3A_73 = vector.shape_cast %convert_element_type3A_72 : vector<2504x128xf32> to vector<1x2504x128xf32>
    %reduce_sum3A_74 = arith.constant dense<0.000000e+00> : vector<1xf32>
    %reduce_sum3A_75 = vector.multi_reduction <add>, %reduce_sum3A_73, %reduce_sum3A_74 [1, 2] : vector<1x2504x128xf32> to vector<1xf32>
    %reduce_sum3A_76 = vector.shape_cast %reduce_sum3A_75 : vector<1xf32> to vector<1x1x1xf32>
    %reduce_sum3A_77 = vector.extract %reduce_sum3A_76[0, 0, 0] : f32 from vector<1x1x1xf32>
    %eq3A_78 = arith.constant 4 : i32
    %eq3A_79 = vector.broadcast %eq3A_78 : i32 to vector<1x128xi32>
    %eq3A_80 = arith.cmpi eq, %iota3A, %eq3A_79 : vector<1x128xi32>
    %jit3A_81 = arith.constant 0.000000e+00 : f32
    %broadcast_in_dim3A_82 = vector.broadcast %reduce_sum3A_77 : f32 to vector<1x128xf32>
    %broadcast_in_dim3A_83 = vector.broadcast %jit3A_81 : f32 to vector<1x128xf32>
    %select_n3A_84 = arith.select %eq3A_80, %broadcast_in_dim3A_82, %broadcast_in_dim3A_83 : vector<1x128xi1>, vector<1x128xf32>
    %add3A_85 = arith.addf %add3A_67, %select_n3A_84 : vector<1x128xf32>
    %lt3A_86 = arith.constant 80 : i32
    %lt3A_87 = vector.broadcast %lt3A_86 : i32 to vector<2504x128xi32>
    %lt3A_88 = arith.cmpi slt, %get3A_1, %lt3A_87 : vector<2504x128xi32>
    %convert_element_type3A_89 = arith.extui %lt3A_88 : vector<2504x128xi1> to vector<2504x128xi32>
    %convert_element_type3A_90 = arith.sitofp %convert_element_type3A_89 : vector<2504x128xi32> to vector<2504x128xf32>
    %reduce_sum3A_91 = vector.shape_cast %convert_element_type3A_90 : vector<2504x128xf32> to vector<1x2504x128xf32>
    %reduce_sum3A_92 = arith.constant dense<0.000000e+00> : vector<1xf32>
    %reduce_sum3A_93 = vector.multi_reduction <add>, %reduce_sum3A_91, %reduce_sum3A_92 [1, 2] : vector<1x2504x128xf32> to vector<1xf32>
    %reduce_sum3A_94 = vector.shape_cast %reduce_sum3A_93 : vector<1xf32> to vector<1x1x1xf32>
    %reduce_sum3A_95 = vector.extract %reduce_sum3A_94[0, 0, 0] : f32 from vector<1x1x1xf32>
    %eq3A_96 = arith.constant 5 : i32
    %eq3A_97 = vector.broadcast %eq3A_96 : i32 to vector<1x128xi32>
    %eq3A_98 = arith.cmpi eq, %iota3A, %eq3A_97 : vector<1x128xi32>
    %jit3A_99 = arith.constant 0.000000e+00 : f32
    %broadcast_in_dim3A_100 = vector.broadcast %reduce_sum3A_95 : f32 to vector<1x128xf32>
    %broadcast_in_dim3A_101 = vector.broadcast %jit3A_99 : f32 to vector<1x128xf32>
    %select_n3A_102 = arith.select %eq3A_98, %broadcast_in_dim3A_100, %broadcast_in_dim3A_101 : vector<1x128xi1>, vector<1x128xf32>
    %add3A_103 = arith.addf %add3A_85, %select_n3A_102 : vector<1x128xf32>
    %lt3A_104 = arith.constant 96 : i32
    %lt3A_105 = vector.broadcast %lt3A_104 : i32 to vector<2504x128xi32>
    %lt3A_106 = arith.cmpi slt, %get3A_1, %lt3A_105 : vector<2504x128xi32>
    %convert_element_type3A_107 = arith.extui %lt3A_106 : vector<2504x128xi1> to vector<2504x128xi32>
    %convert_element_type3A_108 = arith.sitofp %convert_element_type3A_107 : vector<2504x128xi32> to vector<2504x128xf32>
    %reduce_sum3A_109 = vector.shape_cast %convert_element_type3A_108 : vector<2504x128xf32> to vector<1x2504x128xf32>
    %reduce_sum3A_110 = arith.constant dense<0.000000e+00> : vector<1xf32>
    %reduce_sum3A_111 = vector.multi_reduction <add>, %reduce_sum3A_109, %reduce_sum3A_110 [1, 2] : vector<1x2504x128xf32> to vector<1xf32>
    %reduce_sum3A_112 = vector.shape_cast %reduce_sum3A_111 : vector<1xf32> to vector<1x1x1xf32>
    %reduce_sum3A_113 = vector.extract %reduce_sum3A_112[0, 0, 0] : f32 from vector<1x1x1xf32>
    %eq3A_114 = arith.constant 6 : i32
    %eq3A_115 = vector.broadcast %eq3A_114 : i32 to vector<1x128xi32>
    %eq3A_116 = arith.cmpi eq, %iota3A, %eq3A_115 : vector<1x128xi32>
    %jit3A_117 = arith.constant 0.000000e+00 : f32
    %broadcast_in_dim3A_118 = vector.broadcast %reduce_sum3A_113 : f32 to vector<1x128xf32>
    %broadcast_in_dim3A_119 = vector.broadcast %jit3A_117 : f32 to vector<1x128xf32>
    %select_n3A_120 = arith.select %eq3A_116, %broadcast_in_dim3A_118, %broadcast_in_dim3A_119 : vector<1x128xi1>, vector<1x128xf32>
    %add3A_121 = arith.addf %add3A_103, %select_n3A_120 : vector<1x128xf32>
    %lt3A_122 = arith.constant 112 : i32
    %lt3A_123 = vector.broadcast %lt3A_122 : i32 to vector<2504x128xi32>
    %lt3A_124 = arith.cmpi slt, %get3A_1, %lt3A_123 : vector<2504x128xi32>
    %convert_element_type3A_125 = arith.extui %lt3A_124 : vector<2504x128xi1> to vector<2504x128xi32>
    %convert_element_type3A_126 = arith.sitofp %convert_element_type3A_125 : vector<2504x128xi32> to vector<2504x128xf32>
    %reduce_sum3A_127 = vector.shape_cast %convert_element_type3A_126 : vector<2504x128xf32> to vector<1x2504x128xf32>
    %reduce_sum3A_128 = arith.constant dense<0.000000e+00> : vector<1xf32>
    %reduce_sum3A_129 = vector.multi_reduction <add>, %reduce_sum3A_127, %reduce_sum3A_128 [1, 2] : vector<1x2504x128xf32> to vector<1xf32>
    %reduce_sum3A_130 = vector.shape_cast %reduce_sum3A_129 : vector<1xf32> to vector<1x1x1xf32>
    %reduce_sum3A_131 = vector.extract %reduce_sum3A_130[0, 0, 0] : f32 from vector<1x1x1xf32>
    %eq3A_132 = arith.constant 7 : i32
    %eq3A_133 = vector.broadcast %eq3A_132 : i32 to vector<1x128xi32>
    %eq3A_134 = arith.cmpi eq, %iota3A, %eq3A_133 : vector<1x128xi32>
    %jit3A_135 = arith.constant 0.000000e+00 : f32
    %broadcast_in_dim3A_136 = vector.broadcast %reduce_sum3A_131 : f32 to vector<1x128xf32>
    %broadcast_in_dim3A_137 = vector.broadcast %jit3A_135 : f32 to vector<1x128xf32>
    %select_n3A_138 = arith.select %eq3A_134, %broadcast_in_dim3A_136, %broadcast_in_dim3A_137 : vector<1x128xi1>, vector<1x128xf32>
    %add3A_139 = arith.addf %add3A_121, %select_n3A_138 : vector<1x128xf32>
    %lt3A_140 = arith.constant 128 : i32
    %lt3A_141 = vector.broadcast %lt3A_140 : i32 to vector<2504x128xi32>
    %lt3A_142 = arith.cmpi slt, %get3A_1, %lt3A_141 : vector<2504x128xi32>
    %convert_element_type3A_143 = arith.extui %lt3A_142 : vector<2504x128xi1> to vector<2504x128xi32>
    %convert_element_type3A_144 = arith.sitofp %convert_element_type3A_143 : vector<2504x128xi32> to vector<2504x128xf32>
    %reduce_sum3A_145 = vector.shape_cast %convert_element_type3A_144 : vector<2504x128xf32> to vector<1x2504x128xf32>
    %reduce_sum3A_146 = arith.constant dense<0.000000e+00> : vector<1xf32>
    %reduce_sum3A_147 = vector.multi_reduction <add>, %reduce_sum3A_145, %reduce_sum3A_146 [1, 2] : vector<1x2504x128xf32> to vector<1xf32>
    %reduce_sum3A_148 = vector.shape_cast %reduce_sum3A_147 : vector<1xf32> to vector<1x1x1xf32>
    %reduce_sum3A_149 = vector.extract %reduce_sum3A_148[0, 0, 0] : f32 from vector<1x1x1xf32>
    %eq3A_150 = arith.constant 8 : i32
    %eq3A_151 = vector.broadcast %eq3A_150 : i32 to vector<1x128xi32>
    %eq3A_152 = arith.cmpi eq, %iota3A, %eq3A_151 : vector<1x128xi32>
    %jit3A_153 = arith.constant 0.000000e+00 : f32
    %broadcast_in_dim3A_154 = vector.broadcast %reduce_sum3A_149 : f32 to vector<1x128xf32>
    %broadcast_in_dim3A_155 = vector.broadcast %jit3A_153 : f32 to vector<1x128xf32>
    %select_n3A_156 = arith.select %eq3A_152, %broadcast_in_dim3A_154, %broadcast_in_dim3A_155 : vector<1x128xi1>, vector<1x128xf32>
    %add3A_157 = arith.addf %add3A_139, %select_n3A_156 : vector<1x128xf32>
    %lt3A_158 = arith.constant 144 : i32
    %lt3A_159 = vector.broadcast %lt3A_158 : i32 to vector<2504x128xi32>
    %lt3A_160 = arith.cmpi slt, %get3A_1, %lt3A_159 : vector<2504x128xi32>
    %convert_element_type3A_161 = arith.extui %lt3A_160 : vector<2504x128xi1> to vector<2504x128xi32>
    %convert_element_type3A_162 = arith.sitofp %convert_element_type3A_161 : vector<2504x128xi32> to vector<2504x128xf32>
    %reduce_sum3A_163 = vector.shape_cast %convert_element_type3A_162 : vector<2504x128xf32> to vector<1x2504x128xf32>
    %reduce_sum3A_164 = arith.constant dense<0.000000e+00> : vector<1xf32>
    %reduce_sum3A_165 = vector.multi_reduction <add>, %reduce_sum3A_163, %reduce_sum3A_164 [1, 2] : vector<1x2504x128xf32> to vector<1xf32>
    %reduce_sum3A_166 = vector.shape_cast %reduce_sum3A_165 : vector<1xf32> to vector<1x1x1xf32>
    %reduce_sum3A_167 = vector.extract %reduce_sum3A_166[0, 0, 0] : f32 from vector<1x1x1xf32>
    %eq3A_168 = arith.constant 9 : i32
    %eq3A_169 = vector.broadcast %eq3A_168 : i32 to vector<1x128xi32>
    %eq3A_170 = arith.cmpi eq, %iota3A, %eq3A_169 : vector<1x128xi32>
    %jit3A_171 = arith.constant 0.000000e+00 : f32
    %broadcast_in_dim3A_172 = vector.broadcast %reduce_sum3A_167 : f32 to vector<1x128xf32>
    %broadcast_in_dim3A_173 = vector.broadcast %jit3A_171 : f32 to vector<1x128xf32>
    %select_n3A_174 = arith.select %eq3A_170, %broadcast_in_dim3A_172, %broadcast_in_dim3A_173 : vector<1x128xi1>, vector<1x128xf32>
    %add3A_175 = arith.addf %add3A_157, %select_n3A_174 : vector<1x128xf32>
    %lt3A_176 = arith.constant 160 : i32
    %lt3A_177 = vector.broadcast %lt3A_176 : i32 to vector<2504x128xi32>
    %lt3A_178 = arith.cmpi slt, %get3A_1, %lt3A_177 : vector<2504x128xi32>
    %convert_element_type3A_179 = arith.extui %lt3A_178 : vector<2504x128xi1> to vector<2504x128xi32>
    %convert_element_type3A_180 = arith.sitofp %convert_element_type3A_179 : vector<2504x128xi32> to vector<2504x128xf32>
    %reduce_sum3A_181 = vector.shape_cast %convert_element_type3A_180 : vector<2504x128xf32> to vector<1x2504x128xf32>
    %reduce_sum3A_182 = arith.constant dense<0.000000e+00> : vector<1xf32>
    %reduce_sum3A_183 = vector.multi_reduction <add>, %reduce_sum3A_181, %reduce_sum3A_182 [1, 2] : vector<1x2504x128xf32> to vector<1xf32>
    %reduce_sum3A_184 = vector.shape_cast %reduce_sum3A_183 : vector<1xf32> to vector<1x1x1xf32>
    %reduce_sum3A_185 = vector.extract %reduce_sum3A_184[0, 0, 0] : f32 from vector<1x1x1xf32>
    %eq3A_186 = arith.constant 10 : i32
    %eq3A_187 = vector.broadcast %eq3A_186 : i32 to vector<1x128xi32>
    %eq3A_188 = arith.cmpi eq, %iota3A, %eq3A_187 : vector<1x128xi32>
    %jit3A_189 = arith.constant 0.000000e+00 : f32
    %broadcast_in_dim3A_190 = vector.broadcast %reduce_sum3A_185 : f32 to vector<1x128xf32>
    %broadcast_in_dim3A_191 = vector.broadcast %jit3A_189 : f32 to vector<1x128xf32>
    %select_n3A_192 = arith.select %eq3A_188, %broadcast_in_dim3A_190, %broadcast_in_dim3A_191 : vector<1x128xi1>, vector<1x128xf32>
    %add3A_193 = arith.addf %add3A_175, %select_n3A_192 : vector<1x128xf32>
    %lt3A_194 = arith.constant 176 : i32
    %lt3A_195 = vector.broadcast %lt3A_194 : i32 to vector<2504x128xi32>
    %lt3A_196 = arith.cmpi slt, %get3A_1, %lt3A_195 : vector<2504x128xi32>
    %convert_element_type3A_197 = arith.extui %lt3A_196 : vector<2504x128xi1> to vector<2504x128xi32>
    %convert_element_type3A_198 = arith.sitofp %convert_element_type3A_197 : vector<2504x128xi32> to vector<2504x128xf32>
    %reduce_sum3A_199 = vector.shape_cast %convert_element_type3A_198 : vector<2504x128xf32> to vector<1x2504x128xf32>
    %reduce_sum3A_200 = arith.constant dense<0.000000e+00> : vector<1xf32>
    %reduce_sum3A_201 = vector.multi_reduction <add>, %reduce_sum3A_199, %reduce_sum3A_200 [1, 2] : vector<1x2504x128xf32> to vector<1xf32>
    %reduce_sum3A_202 = vector.shape_cast %reduce_sum3A_201 : vector<1xf32> to vector<1x1x1xf32>
    %reduce_sum3A_203 = vector.extract %reduce_sum3A_202[0, 0, 0] : f32 from vector<1x1x1xf32>
    %eq3A_204 = arith.constant 11 : i32
    %eq3A_205 = vector.broadcast %eq3A_204 : i32 to vector<1x128xi32>
    %eq3A_206 = arith.cmpi eq, %iota3A, %eq3A_205 : vector<1x128xi32>
    %jit3A_207 = arith.constant 0.000000e+00 : f32
    %broadcast_in_dim3A_208 = vector.broadcast %reduce_sum3A_203 : f32 to vector<1x128xf32>
    %broadcast_in_dim3A_209 = vector.broadcast %jit3A_207 : f32 to vector<1x128xf32>
    %select_n3A_210 = arith.select %eq3A_206, %broadcast_in_dim3A_208, %broadcast_in_dim3A_209 : vector<1x128xi1>, vector<1x128xf32>
    %add3A_211 = arith.addf %add3A_193, %select_n3A_210 : vector<1x128xf32>
    %lt3A_212 = arith.constant 192 : i32
    %lt3A_213 = vector.broadcast %lt3A_212 : i32 to vector<2504x128xi32>
    %lt3A_214 = arith.cmpi slt, %get3A_1, %lt3A_213 : vector<2504x128xi32>
    %convert_element_type3A_215 = arith.extui %lt3A_214 : vector<2504x128xi1> to vector<2504x128xi32>
    %convert_element_type3A_216 = arith.sitofp %convert_element_type3A_215 : vector<2504x128xi32> to vector<2504x128xf32>
    %reduce_sum3A_217 = vector.shape_cast %convert_element_type3A_216 : vector<2504x128xf32> to vector<1x2504x128xf32>
    %reduce_sum3A_218 = arith.constant dense<0.000000e+00> : vector<1xf32>
    %reduce_sum3A_219 = vector.multi_reduction <add>, %reduce_sum3A_217, %reduce_sum3A_218 [1, 2] : vector<1x2504x128xf32> to vector<1xf32>
    %reduce_sum3A_220 = vector.shape_cast %reduce_sum3A_219 : vector<1xf32> to vector<1x1x1xf32>
    %reduce_sum3A_221 = vector.extract %reduce_sum3A_220[0, 0, 0] : f32 from vector<1x1x1xf32>
    %eq3A_222 = arith.constant 12 : i32
    %eq3A_223 = vector.broadcast %eq3A_222 : i32 to vector<1x128xi32>
    %eq3A_224 = arith.cmpi eq, %iota3A, %eq3A_223 : vector<1x128xi32>
    %jit3A_225 = arith.constant 0.000000e+00 : f32
    %broadcast_in_dim3A_226 = vector.broadcast %reduce_sum3A_221 : f32 to vector<1x128xf32>
    %broadcast_in_dim3A_227 = vector.broadcast %jit3A_225 : f32 to vector<1x128xf32>
    %select_n3A_228 = arith.select %eq3A_224, %broadcast_in_dim3A_226, %broadcast_in_dim3A_227 : vector<1x128xi1>, vector<1x128xf32>
    %add3A_229 = arith.addf %add3A_211, %select_n3A_228 : vector<1x128xf32>
    %lt3A_230 = arith.constant 208 : i32
    %lt3A_231 = vector.broadcast %lt3A_230 : i32 to vector<2504x128xi32>
    %lt3A_232 = arith.cmpi slt, %get3A_1, %lt3A_231 : vector<2504x128xi32>
    %convert_element_type3A_233 = arith.extui %lt3A_232 : vector<2504x128xi1> to vector<2504x128xi32>
    %convert_element_type3A_234 = arith.sitofp %convert_element_type3A_233 : vector<2504x128xi32> to vector<2504x128xf32>
    %reduce_sum3A_235 = vector.shape_cast %convert_element_type3A_234 : vector<2504x128xf32> to vector<1x2504x128xf32>
    %reduce_sum3A_236 = arith.constant dense<0.000000e+00> : vector<1xf32>
    %reduce_sum3A_237 = vector.multi_reduction <add>, %reduce_sum3A_235, %reduce_sum3A_236 [1, 2] : vector<1x2504x128xf32> to vector<1xf32>
    %reduce_sum3A_238 = vector.shape_cast %reduce_sum3A_237 : vector<1xf32> to vector<1x1x1xf32>
    %reduce_sum3A_239 = vector.extract %reduce_sum3A_238[0, 0, 0] : f32 from vector<1x1x1xf32>
    %eq3A_240 = arith.constant 13 : i32
    %eq3A_241 = vector.broadcast %eq3A_240 : i32 to vector<1x128xi32>
    %eq3A_242 = arith.cmpi eq, %iota3A, %eq3A_241 : vector<1x128xi32>
    %jit3A_243 = arith.constant 0.000000e+00 : f32
    %broadcast_in_dim3A_244 = vector.broadcast %reduce_sum3A_239 : f32 to vector<1x128xf32>
    %broadcast_in_dim3A_245 = vector.broadcast %jit3A_243 : f32 to vector<1x128xf32>
    %select_n3A_246 = arith.select %eq3A_242, %broadcast_in_dim3A_244, %broadcast_in_dim3A_245 : vector<1x128xi1>, vector<1x128xf32>
    %add3A_247 = arith.addf %add3A_229, %select_n3A_246 : vector<1x128xf32>
    %lt3A_248 = arith.constant 224 : i32
    %lt3A_249 = vector.broadcast %lt3A_248 : i32 to vector<2504x128xi32>
    %lt3A_250 = arith.cmpi slt, %get3A_1, %lt3A_249 : vector<2504x128xi32>
    %convert_element_type3A_251 = arith.extui %lt3A_250 : vector<2504x128xi1> to vector<2504x128xi32>
    %convert_element_type3A_252 = arith.sitofp %convert_element_type3A_251 : vector<2504x128xi32> to vector<2504x128xf32>
    %reduce_sum3A_253 = vector.shape_cast %convert_element_type3A_252 : vector<2504x128xf32> to vector<1x2504x128xf32>
    %reduce_sum3A_254 = arith.constant dense<0.000000e+00> : vector<1xf32>
    %reduce_sum3A_255 = vector.multi_reduction <add>, %reduce_sum3A_253, %reduce_sum3A_254 [1, 2] : vector<1x2504x128xf32> to vector<1xf32>
    %reduce_sum3A_256 = vector.shape_cast %reduce_sum3A_255 : vector<1xf32> to vector<1x1x1xf32>
    %reduce_sum3A_257 = vector.extract %reduce_sum3A_256[0, 0, 0] : f32 from vector<1x1x1xf32>
    %eq3A_258 = arith.constant 14 : i32
    %eq3A_259 = vector.broadcast %eq3A_258 : i32 to vector<1x128xi32>
    %eq3A_260 = arith.cmpi eq, %iota3A, %eq3A_259 : vector<1x128xi32>
    %jit3A_261 = arith.constant 0.000000e+00 : f32
    %broadcast_in_dim3A_262 = vector.broadcast %reduce_sum3A_257 : f32 to vector<1x128xf32>
    %broadcast_in_dim3A_263 = vector.broadcast %jit3A_261 : f32 to vector<1x128xf32>
    %select_n3A_264 = arith.select %eq3A_260, %broadcast_in_dim3A_262, %broadcast_in_dim3A_263 : vector<1x128xi1>, vector<1x128xf32>
    %add3A_265 = arith.addf %add3A_247, %select_n3A_264 : vector<1x128xf32>
    %lt3A_266 = arith.constant 240 : i32
    %lt3A_267 = vector.broadcast %lt3A_266 : i32 to vector<2504x128xi32>
    %lt3A_268 = arith.cmpi slt, %get3A_1, %lt3A_267 : vector<2504x128xi32>
    %convert_element_type3A_269 = arith.extui %lt3A_268 : vector<2504x128xi1> to vector<2504x128xi32>
    %convert_element_type3A_270 = arith.sitofp %convert_element_type3A_269 : vector<2504x128xi32> to vector<2504x128xf32>
    %reduce_sum3A_271 = vector.shape_cast %convert_element_type3A_270 : vector<2504x128xf32> to vector<1x2504x128xf32>
    %reduce_sum3A_272 = arith.constant dense<0.000000e+00> : vector<1xf32>
    %reduce_sum3A_273 = vector.multi_reduction <add>, %reduce_sum3A_271, %reduce_sum3A_272 [1, 2] : vector<1x2504x128xf32> to vector<1xf32>
    %reduce_sum3A_274 = vector.shape_cast %reduce_sum3A_273 : vector<1xf32> to vector<1x1x1xf32>
    %reduce_sum3A_275 = vector.extract %reduce_sum3A_274[0, 0, 0] : f32 from vector<1x1x1xf32>
    %eq3A_276 = arith.constant 15 : i32
    %eq3A_277 = vector.broadcast %eq3A_276 : i32 to vector<1x128xi32>
    %eq3A_278 = arith.cmpi eq, %iota3A, %eq3A_277 : vector<1x128xi32>
    %jit3A_279 = arith.constant 0.000000e+00 : f32
    %broadcast_in_dim3A_280 = vector.broadcast %reduce_sum3A_275 : f32 to vector<1x128xf32>
    %broadcast_in_dim3A_281 = vector.broadcast %jit3A_279 : f32 to vector<1x128xf32>
    %select_n3A_282 = arith.select %eq3A_278, %broadcast_in_dim3A_280, %broadcast_in_dim3A_281 : vector<1x128xi1>, vector<1x128xf32>
    %add3A_283 = arith.addf %add3A_265, %select_n3A_282 : vector<1x128xf32>
    %lt3A_284 = arith.constant 256 : i32
    %lt3A_285 = vector.broadcast %lt3A_284 : i32 to vector<2504x128xi32>
    %lt3A_286 = arith.cmpi slt, %get3A_1, %lt3A_285 : vector<2504x128xi32>
    %convert_element_type3A_287 = arith.extui %lt3A_286 : vector<2504x128xi1> to vector<2504x128xi32>
    %convert_element_type3A_288 = arith.sitofp %convert_element_type3A_287 : vector<2504x128xi32> to vector<2504x128xf32>
    %reduce_sum3A_289 = vector.shape_cast %convert_element_type3A_288 : vector<2504x128xf32> to vector<1x2504x128xf32>
    %reduce_sum3A_290 = arith.constant dense<0.000000e+00> : vector<1xf32>
    %reduce_sum3A_291 = vector.multi_reduction <add>, %reduce_sum3A_289, %reduce_sum3A_290 [1, 2] : vector<1x2504x128xf32> to vector<1xf32>
    %reduce_sum3A_292 = vector.shape_cast %reduce_sum3A_291 : vector<1xf32> to vector<1x1x1xf32>
    %reduce_sum3A_293 = vector.extract %reduce_sum3A_292[0, 0, 0] : f32 from vector<1x1x1xf32>
    %eq3A_294 = arith.constant 16 : i32
    %eq3A_295 = vector.broadcast %eq3A_294 : i32 to vector<1x128xi32>
    %eq3A_296 = arith.cmpi eq, %iota3A, %eq3A_295 : vector<1x128xi32>
    %jit3A_297 = arith.constant 0.000000e+00 : f32
    %broadcast_in_dim3A_298 = vector.broadcast %reduce_sum3A_293 : f32 to vector<1x128xf32>
    %broadcast_in_dim3A_299 = vector.broadcast %jit3A_297 : f32 to vector<1x128xf32>
    %select_n3A_300 = arith.select %eq3A_296, %broadcast_in_dim3A_298, %broadcast_in_dim3A_299 : vector<1x128xi1>, vector<1x128xf32>
    %add3A_301 = arith.addf %add3A_283, %select_n3A_300 : vector<1x128xf32>
    %lt3A_302 = arith.constant 272 : i32
    %lt3A_303 = vector.broadcast %lt3A_302 : i32 to vector<2504x128xi32>
    %lt3A_304 = arith.cmpi slt, %get3A_1, %lt3A_303 : vector<2504x128xi32>
    %convert_element_type3A_305 = arith.extui %lt3A_304 : vector<2504x128xi1> to vector<2504x128xi32>
    %convert_element_type3A_306 = arith.sitofp %convert_element_type3A_305 : vector<2504x128xi32> to vector<2504x128xf32>
    %reduce_sum3A_307 = vector.shape_cast %convert_element_type3A_306 : vector<2504x128xf32> to vector<1x2504x128xf32>
    %reduce_sum3A_308 = arith.constant dense<0.000000e+00> : vector<1xf32>
    %reduce_sum3A_309 = vector.multi_reduction <add>, %reduce_sum3A_307, %reduce_sum3A_308 [1, 2] : vector<1x2504x128xf32> to vector<1xf32>
    %reduce_sum3A_310 = vector.shape_cast %reduce_sum3A_309 : vector<1xf32> to vector<1x1x1xf32>
    %reduce_sum3A_311 = vector.extract %reduce_sum3A_310[0, 0, 0] : f32 from vector<1x1x1xf32>
    %eq3A_312 = arith.constant 17 : i32
    %eq3A_313 = vector.broadcast %eq3A_312 : i32 to vector<1x128xi32>
    %eq3A_314 = arith.cmpi eq, %iota3A, %eq3A_313 : vector<1x128xi32>
    %jit3A_315 = arith.constant 0.000000e+00 : f32
    %broadcast_in_dim3A_316 = vector.broadcast %reduce_sum3A_311 : f32 to vector<1x128xf32>
    %broadcast_in_dim3A_317 = vector.broadcast %jit3A_315 : f32 to vector<1x128xf32>
    %select_n3A_318 = arith.select %eq3A_314, %broadcast_in_dim3A_316, %broadcast_in_dim3A_317 : vector<1x128xi1>, vector<1x128xf32>
    %add3A_319 = arith.addf %add3A_301, %select_n3A_318 : vector<1x128xf32>
    %lt3A_320 = arith.constant 288 : i32
    %lt3A_321 = vector.broadcast %lt3A_320 : i32 to vector<2504x128xi32>
    %lt3A_322 = arith.cmpi slt, %get3A_1, %lt3A_321 : vector<2504x128xi32>
    %convert_element_type3A_323 = arith.extui %lt3A_322 : vector<2504x128xi1> to vector<2504x128xi32>
    %convert_element_type3A_324 = arith.sitofp %convert_element_type3A_323 : vector<2504x128xi32> to vector<2504x128xf32>
    %reduce_sum3A_325 = vector.shape_cast %convert_element_type3A_324 : vector<2504x128xf32> to vector<1x2504x128xf32>
    %reduce_sum3A_326 = arith.constant dense<0.000000e+00> : vector<1xf32>
    %reduce_sum3A_327 = vector.multi_reduction <add>, %reduce_sum3A_325, %reduce_sum3A_326 [1, 2] : vector<1x2504x128xf32> to vector<1xf32>
    %reduce_sum3A_328 = vector.shape_cast %reduce_sum3A_327 : vector<1xf32> to vector<1x1x1xf32>
    %reduce_sum3A_329 = vector.extract %reduce_sum3A_328[0, 0, 0] : f32 from vector<1x1x1xf32>
    %eq3A_330 = arith.constant 18 : i32
    %eq3A_331 = vector.broadcast %eq3A_330 : i32 to vector<1x128xi32>
    %eq3A_332 = arith.cmpi eq, %iota3A, %eq3A_331 : vector<1x128xi32>
    %jit3A_333 = arith.constant 0.000000e+00 : f32
    %broadcast_in_dim3A_334 = vector.broadcast %reduce_sum3A_329 : f32 to vector<1x128xf32>
    %broadcast_in_dim3A_335 = vector.broadcast %jit3A_333 : f32 to vector<1x128xf32>
    %select_n3A_336 = arith.select %eq3A_332, %broadcast_in_dim3A_334, %broadcast_in_dim3A_335 : vector<1x128xi1>, vector<1x128xf32>
    %add3A_337 = arith.addf %add3A_319, %select_n3A_336 : vector<1x128xf32>
    %lt3A_338 = arith.constant 304 : i32
    %lt3A_339 = vector.broadcast %lt3A_338 : i32 to vector<2504x128xi32>
    %lt3A_340 = arith.cmpi slt, %get3A_1, %lt3A_339 : vector<2504x128xi32>
    %convert_element_type3A_341 = arith.extui %lt3A_340 : vector<2504x128xi1> to vector<2504x128xi32>
    %convert_element_type3A_342 = arith.sitofp %convert_element_type3A_341 : vector<2504x128xi32> to vector<2504x128xf32>
    %reduce_sum3A_343 = vector.shape_cast %convert_element_type3A_342 : vector<2504x128xf32> to vector<1x2504x128xf32>
    %reduce_sum3A_344 = arith.constant dense<0.000000e+00> : vector<1xf32>
    %reduce_sum3A_345 = vector.multi_reduction <add>, %reduce_sum3A_343, %reduce_sum3A_344 [1, 2] : vector<1x2504x128xf32> to vector<1xf32>
    %reduce_sum3A_346 = vector.shape_cast %reduce_sum3A_345 : vector<1xf32> to vector<1x1x1xf32>
    %reduce_sum3A_347 = vector.extract %reduce_sum3A_346[0, 0, 0] : f32 from vector<1x1x1xf32>
    %eq3A_348 = arith.constant 19 : i32
    %eq3A_349 = vector.broadcast %eq3A_348 : i32 to vector<1x128xi32>
    %eq3A_350 = arith.cmpi eq, %iota3A, %eq3A_349 : vector<1x128xi32>
    %jit3A_351 = arith.constant 0.000000e+00 : f32
    %broadcast_in_dim3A_352 = vector.broadcast %reduce_sum3A_347 : f32 to vector<1x128xf32>
    %broadcast_in_dim3A_353 = vector.broadcast %jit3A_351 : f32 to vector<1x128xf32>
    %select_n3A_354 = arith.select %eq3A_350, %broadcast_in_dim3A_352, %broadcast_in_dim3A_353 : vector<1x128xi1>, vector<1x128xf32>
    %add3A_355 = arith.addf %add3A_337, %select_n3A_354 : vector<1x128xf32>
    %lt3A_356 = arith.constant 320 : i32
    %lt3A_357 = vector.broadcast %lt3A_356 : i32 to vector<2504x128xi32>
    %lt3A_358 = arith.cmpi slt, %get3A_1, %lt3A_357 : vector<2504x128xi32>
    %convert_element_type3A_359 = arith.extui %lt3A_358 : vector<2504x128xi1> to vector<2504x128xi32>
    %convert_element_type3A_360 = arith.sitofp %convert_element_type3A_359 : vector<2504x128xi32> to vector<2504x128xf32>
    %reduce_sum3A_361 = vector.shape_cast %convert_element_type3A_360 : vector<2504x128xf32> to vector<1x2504x128xf32>
    %reduce_sum3A_362 = arith.constant dense<0.000000e+00> : vector<1xf32>
    %reduce_sum3A_363 = vector.multi_reduction <add>, %reduce_sum3A_361, %reduce_sum3A_362 [1, 2] : vector<1x2504x128xf32> to vector<1xf32>
    %reduce_sum3A_364 = vector.shape_cast %reduce_sum3A_363 : vector<1xf32> to vector<1x1x1xf32>
    %reduce_sum3A_365 = vector.extract %reduce_sum3A_364[0, 0, 0] : f32 from vector<1x1x1xf32>
    %eq3A_366 = arith.constant 20 : i32
    %eq3A_367 = vector.broadcast %eq3A_366 : i32 to vector<1x128xi32>
    %eq3A_368 = arith.cmpi eq, %iota3A, %eq3A_367 : vector<1x128xi32>
    %jit3A_369 = arith.constant 0.000000e+00 : f32
    %broadcast_in_dim3A_370 = vector.broadcast %reduce_sum3A_365 : f32 to vector<1x128xf32>
    %broadcast_in_dim3A_371 = vector.broadcast %jit3A_369 : f32 to vector<1x128xf32>
    %select_n3A_372 = arith.select %eq3A_368, %broadcast_in_dim3A_370, %broadcast_in_dim3A_371 : vector<1x128xi1>, vector<1x128xf32>
    %add3A_373 = arith.addf %add3A_355, %select_n3A_372 : vector<1x128xf32>
    %lt3A_374 = arith.constant 336 : i32
    %lt3A_375 = vector.broadcast %lt3A_374 : i32 to vector<2504x128xi32>
    %lt3A_376 = arith.cmpi slt, %get3A_1, %lt3A_375 : vector<2504x128xi32>
    %convert_element_type3A_377 = arith.extui %lt3A_376 : vector<2504x128xi1> to vector<2504x128xi32>
    %convert_element_type3A_378 = arith.sitofp %convert_element_type3A_377 : vector<2504x128xi32> to vector<2504x128xf32>
    %reduce_sum3A_379 = vector.shape_cast %convert_element_type3A_378 : vector<2504x128xf32> to vector<1x2504x128xf32>
    %reduce_sum3A_380 = arith.constant dense<0.000000e+00> : vector<1xf32>
    %reduce_sum3A_381 = vector.multi_reduction <add>, %reduce_sum3A_379, %reduce_sum3A_380 [1, 2] : vector<1x2504x128xf32> to vector<1xf32>
    %reduce_sum3A_382 = vector.shape_cast %reduce_sum3A_381 : vector<1xf32> to vector<1x1x1xf32>
    %reduce_sum3A_383 = vector.extract %reduce_sum3A_382[0, 0, 0] : f32 from vector<1x1x1xf32>
    %eq3A_384 = arith.constant 21 : i32
    %eq3A_385 = vector.broadcast %eq3A_384 : i32 to vector<1x128xi32>
    %eq3A_386 = arith.cmpi eq, %iota3A, %eq3A_385 : vector<1x128xi32>
    %jit3A_387 = arith.constant 0.000000e+00 : f32
    %broadcast_in_dim3A_388 = vector.broadcast %reduce_sum3A_383 : f32 to vector<1x128xf32>
    %broadcast_in_dim3A_389 = vector.broadcast %jit3A_387 : f32 to vector<1x128xf32>
    %select_n3A_390 = arith.select %eq3A_386, %broadcast_in_dim3A_388, %broadcast_in_dim3A_389 : vector<1x128xi1>, vector<1x128xf32>
    %add3A_391 = arith.addf %add3A_373, %select_n3A_390 : vector<1x128xf32>
    %lt3A_392 = arith.constant 352 : i32
    %lt3A_393 = vector.broadcast %lt3A_392 : i32 to vector<2504x128xi32>
    %lt3A_394 = arith.cmpi slt, %get3A_1, %lt3A_393 : vector<2504x128xi32>
    %convert_element_type3A_395 = arith.extui %lt3A_394 : vector<2504x128xi1> to vector<2504x128xi32>
    %convert_element_type3A_396 = arith.sitofp %convert_element_type3A_395 : vector<2504x128xi32> to vector<2504x128xf32>
    %reduce_sum3A_397 = vector.shape_cast %convert_element_type3A_396 : vector<2504x128xf32> to vector<1x2504x128xf32>
    %reduce_sum3A_398 = arith.constant dense<0.000000e+00> : vector<1xf32>
    %reduce_sum3A_399 = vector.multi_reduction <add>, %reduce_sum3A_397, %reduce_sum3A_398 [1, 2] : vector<1x2504x128xf32> to vector<1xf32>
    %reduce_sum3A_400 = vector.shape_cast %reduce_sum3A_399 : vector<1xf32> to vector<1x1x1xf32>
    %reduce_sum3A_401 = vector.extract %reduce_sum3A_400[0, 0, 0] : f32 from vector<1x1x1xf32>
    %eq3A_402 = arith.constant 22 : i32
    %eq3A_403 = vector.broadcast %eq3A_402 : i32 to vector<1x128xi32>
    %eq3A_404 = arith.cmpi eq, %iota3A, %eq3A_403 : vector<1x128xi32>
    %jit3A_405 = arith.constant 0.000000e+00 : f32
    %broadcast_in_dim3A_406 = vector.broadcast %reduce_sum3A_401 : f32 to vector<1x128xf32>
    %broadcast_in_dim3A_407 = vector.broadcast %jit3A_405 : f32 to vector<1x128xf32>
    %select_n3A_408 = arith.select %eq3A_404, %broadcast_in_dim3A_406, %broadcast_in_dim3A_407 : vector<1x128xi1>, vector<1x128xf32>
    %add3A_409 = arith.addf %add3A_391, %select_n3A_408 : vector<1x128xf32>
    %lt3A_410 = arith.constant 368 : i32
    %lt3A_411 = vector.broadcast %lt3A_410 : i32 to vector<2504x128xi32>
    %lt3A_412 = arith.cmpi slt, %get3A_1, %lt3A_411 : vector<2504x128xi32>
    %convert_element_type3A_413 = arith.extui %lt3A_412 : vector<2504x128xi1> to vector<2504x128xi32>
    %convert_element_type3A_414 = arith.sitofp %convert_element_type3A_413 : vector<2504x128xi32> to vector<2504x128xf32>
    %reduce_sum3A_415 = vector.shape_cast %convert_element_type3A_414 : vector<2504x128xf32> to vector<1x2504x128xf32>
    %reduce_sum3A_416 = arith.constant dense<0.000000e+00> : vector<1xf32>
    %reduce_sum3A_417 = vector.multi_reduction <add>, %reduce_sum3A_415, %reduce_sum3A_416 [1, 2] : vector<1x2504x128xf32> to vector<1xf32>
    %reduce_sum3A_418 = vector.shape_cast %reduce_sum3A_417 : vector<1xf32> to vector<1x1x1xf32>
    %reduce_sum3A_419 = vector.extract %reduce_sum3A_418[0, 0, 0] : f32 from vector<1x1x1xf32>
    %eq3A_420 = arith.constant 23 : i32
    %eq3A_421 = vector.broadcast %eq3A_420 : i32 to vector<1x128xi32>
    %eq3A_422 = arith.cmpi eq, %iota3A, %eq3A_421 : vector<1x128xi32>
    %jit3A_423 = arith.constant 0.000000e+00 : f32
    %broadcast_in_dim3A_424 = vector.broadcast %reduce_sum3A_419 : f32 to vector<1x128xf32>
    %broadcast_in_dim3A_425 = vector.broadcast %jit3A_423 : f32 to vector<1x128xf32>
    %select_n3A_426 = arith.select %eq3A_422, %broadcast_in_dim3A_424, %broadcast_in_dim3A_425 : vector<1x128xi1>, vector<1x128xf32>
    %add3A_427 = arith.addf %add3A_409, %select_n3A_426 : vector<1x128xf32>
    %lt3A_428 = arith.constant 384 : i32
    %lt3A_429 = vector.broadcast %lt3A_428 : i32 to vector<2504x128xi32>
    %lt3A_430 = arith.cmpi slt, %get3A_1, %lt3A_429 : vector<2504x128xi32>
    %convert_element_type3A_431 = arith.extui %lt3A_430 : vector<2504x128xi1> to vector<2504x128xi32>
    %convert_element_type3A_432 = arith.sitofp %convert_element_type3A_431 : vector<2504x128xi32> to vector<2504x128xf32>
    %reduce_sum3A_433 = vector.shape_cast %convert_element_type3A_432 : vector<2504x128xf32> to vector<1x2504x128xf32>
    %reduce_sum3A_434 = arith.constant dense<0.000000e+00> : vector<1xf32>
    %reduce_sum3A_435 = vector.multi_reduction <add>, %reduce_sum3A_433, %reduce_sum3A_434 [1, 2] : vector<1x2504x128xf32> to vector<1xf32>
    %reduce_sum3A_436 = vector.shape_cast %reduce_sum3A_435 : vector<1xf32> to vector<1x1x1xf32>
    %reduce_sum3A_437 = vector.extract %reduce_sum3A_436[0, 0, 0] : f32 from vector<1x1x1xf32>
    %eq3A_438 = arith.constant 24 : i32
    %eq3A_439 = vector.broadcast %eq3A_438 : i32 to vector<1x128xi32>
    %eq3A_440 = arith.cmpi eq, %iota3A, %eq3A_439 : vector<1x128xi32>
    %jit3A_441 = arith.constant 0.000000e+00 : f32
    %broadcast_in_dim3A_442 = vector.broadcast %reduce_sum3A_437 : f32 to vector<1x128xf32>
    %broadcast_in_dim3A_443 = vector.broadcast %jit3A_441 : f32 to vector<1x128xf32>
    %select_n3A_444 = arith.select %eq3A_440, %broadcast_in_dim3A_442, %broadcast_in_dim3A_443 : vector<1x128xi1>, vector<1x128xf32>
    %add3A_445 = arith.addf %add3A_427, %select_n3A_444 : vector<1x128xf32>
    %lt3A_446 = arith.constant 400 : i32
    %lt3A_447 = vector.broadcast %lt3A_446 : i32 to vector<2504x128xi32>
    %lt3A_448 = arith.cmpi slt, %get3A_1, %lt3A_447 : vector<2504x128xi32>
    %convert_element_type3A_449 = arith.extui %lt3A_448 : vector<2504x128xi1> to vector<2504x128xi32>
    %convert_element_type3A_450 = arith.sitofp %convert_element_type3A_449 : vector<2504x128xi32> to vector<2504x128xf32>
    %reduce_sum3A_451 = vector.shape_cast %convert_element_type3A_450 : vector<2504x128xf32> to vector<1x2504x128xf32>
    %reduce_sum3A_452 = arith.constant dense<0.000000e+00> : vector<1xf32>
    %reduce_sum3A_453 = vector.multi_reduction <add>, %reduce_sum3A_451, %reduce_sum3A_452 [1, 2] : vector<1x2504x128xf32> to vector<1xf32>
    %reduce_sum3A_454 = vector.shape_cast %reduce_sum3A_453 : vector<1xf32> to vector<1x1x1xf32>
    %reduce_sum3A_455 = vector.extract %reduce_sum3A_454[0, 0, 0] : f32 from vector<1x1x1xf32>
    %eq3A_456 = arith.constant 25 : i32
    %eq3A_457 = vector.broadcast %eq3A_456 : i32 to vector<1x128xi32>
    %eq3A_458 = arith.cmpi eq, %iota3A, %eq3A_457 : vector<1x128xi32>
    %jit3A_459 = arith.constant 0.000000e+00 : f32
    %broadcast_in_dim3A_460 = vector.broadcast %reduce_sum3A_455 : f32 to vector<1x128xf32>
    %broadcast_in_dim3A_461 = vector.broadcast %jit3A_459 : f32 to vector<1x128xf32>
    %select_n3A_462 = arith.select %eq3A_458, %broadcast_in_dim3A_460, %broadcast_in_dim3A_461 : vector<1x128xi1>, vector<1x128xf32>
    %add3A_463 = arith.addf %add3A_445, %select_n3A_462 : vector<1x128xf32>
    %lt3A_464 = arith.constant 416 : i32
    %lt3A_465 = vector.broadcast %lt3A_464 : i32 to vector<2504x128xi32>
    %lt3A_466 = arith.cmpi slt, %get3A_1, %lt3A_465 : vector<2504x128xi32>
    %convert_element_type3A_467 = arith.extui %lt3A_466 : vector<2504x128xi1> to vector<2504x128xi32>
    %convert_element_type3A_468 = arith.sitofp %convert_element_type3A_467 : vector<2504x128xi32> to vector<2504x128xf32>
    %reduce_sum3A_469 = vector.shape_cast %convert_element_type3A_468 : vector<2504x128xf32> to vector<1x2504x128xf32>
    %reduce_sum3A_470 = arith.constant dense<0.000000e+00> : vector<1xf32>
    %reduce_sum3A_471 = vector.multi_reduction <add>, %reduce_sum3A_469, %reduce_sum3A_470 [1, 2] : vector<1x2504x128xf32> to vector<1xf32>
    %reduce_sum3A_472 = vector.shape_cast %reduce_sum3A_471 : vector<1xf32> to vector<1x1x1xf32>
    %reduce_sum3A_473 = vector.extract %reduce_sum3A_472[0, 0, 0] : f32 from vector<1x1x1xf32>
    %eq3A_474 = arith.constant 26 : i32
    %eq3A_475 = vector.broadcast %eq3A_474 : i32 to vector<1x128xi32>
    %eq3A_476 = arith.cmpi eq, %iota3A, %eq3A_475 : vector<1x128xi32>
    %jit3A_477 = arith.constant 0.000000e+00 : f32
    %broadcast_in_dim3A_478 = vector.broadcast %reduce_sum3A_473 : f32 to vector<1x128xf32>
    %broadcast_in_dim3A_479 = vector.broadcast %jit3A_477 : f32 to vector<1x128xf32>
    %select_n3A_480 = arith.select %eq3A_476, %broadcast_in_dim3A_478, %broadcast_in_dim3A_479 : vector<1x128xi1>, vector<1x128xf32>
    %add3A_481 = arith.addf %add3A_463, %select_n3A_480 : vector<1x128xf32>
    %lt3A_482 = arith.constant 432 : i32
    %lt3A_483 = vector.broadcast %lt3A_482 : i32 to vector<2504x128xi32>
    %lt3A_484 = arith.cmpi slt, %get3A_1, %lt3A_483 : vector<2504x128xi32>
    %convert_element_type3A_485 = arith.extui %lt3A_484 : vector<2504x128xi1> to vector<2504x128xi32>
    %convert_element_type3A_486 = arith.sitofp %convert_element_type3A_485 : vector<2504x128xi32> to vector<2504x128xf32>
    %reduce_sum3A_487 = vector.shape_cast %convert_element_type3A_486 : vector<2504x128xf32> to vector<1x2504x128xf32>
    %reduce_sum3A_488 = arith.constant dense<0.000000e+00> : vector<1xf32>
    %reduce_sum3A_489 = vector.multi_reduction <add>, %reduce_sum3A_487, %reduce_sum3A_488 [1, 2] : vector<1x2504x128xf32> to vector<1xf32>
    %reduce_sum3A_490 = vector.shape_cast %reduce_sum3A_489 : vector<1xf32> to vector<1x1x1xf32>
    %reduce_sum3A_491 = vector.extract %reduce_sum3A_490[0, 0, 0] : f32 from vector<1x1x1xf32>
    %eq3A_492 = arith.constant 27 : i32
    %eq3A_493 = vector.broadcast %eq3A_492 : i32 to vector<1x128xi32>
    %eq3A_494 = arith.cmpi eq, %iota3A, %eq3A_493 : vector<1x128xi32>
    %jit3A_495 = arith.constant 0.000000e+00 : f32
    %broadcast_in_dim3A_496 = vector.broadcast %reduce_sum3A_491 : f32 to vector<1x128xf32>
    %broadcast_in_dim3A_497 = vector.broadcast %jit3A_495 : f32 to vector<1x128xf32>
    %select_n3A_498 = arith.select %eq3A_494, %broadcast_in_dim3A_496, %broadcast_in_dim3A_497 : vector<1x128xi1>, vector<1x128xf32>
    %add3A_499 = arith.addf %add3A_481, %select_n3A_498 : vector<1x128xf32>
    %lt3A_500 = arith.constant 448 : i32
    %lt3A_501 = vector.broadcast %lt3A_500 : i32 to vector<2504x128xi32>
    %lt3A_502 = arith.cmpi slt, %get3A_1, %lt3A_501 : vector<2504x128xi32>
    %convert_element_type3A_503 = arith.extui %lt3A_502 : vector<2504x128xi1> to vector<2504x128xi32>
    %convert_element_type3A_504 = arith.sitofp %convert_element_type3A_503 : vector<2504x128xi32> to vector<2504x128xf32>
    %reduce_sum3A_505 = vector.shape_cast %convert_element_type3A_504 : vector<2504x128xf32> to vector<1x2504x128xf32>
    %reduce_sum3A_506 = arith.constant dense<0.000000e+00> : vector<1xf32>
    %reduce_sum3A_507 = vector.multi_reduction <add>, %reduce_sum3A_505, %reduce_sum3A_506 [1, 2] : vector<1x2504x128xf32> to vector<1xf32>
    %reduce_sum3A_508 = vector.shape_cast %reduce_sum3A_507 : vector<1xf32> to vector<1x1x1xf32>
    %reduce_sum3A_509 = vector.extract %reduce_sum3A_508[0, 0, 0] : f32 from vector<1x1x1xf32>
    %eq3A_510 = arith.constant 28 : i32
    %eq3A_511 = vector.broadcast %eq3A_510 : i32 to vector<1x128xi32>
    %eq3A_512 = arith.cmpi eq, %iota3A, %eq3A_511 : vector<1x128xi32>
    %jit3A_513 = arith.constant 0.000000e+00 : f32
    %broadcast_in_dim3A_514 = vector.broadcast %reduce_sum3A_509 : f32 to vector<1x128xf32>
    %broadcast_in_dim3A_515 = vector.broadcast %jit3A_513 : f32 to vector<1x128xf32>
    %select_n3A_516 = arith.select %eq3A_512, %broadcast_in_dim3A_514, %broadcast_in_dim3A_515 : vector<1x128xi1>, vector<1x128xf32>
    %add3A_517 = arith.addf %add3A_499, %select_n3A_516 : vector<1x128xf32>
    %lt3A_518 = arith.constant 464 : i32
    %lt3A_519 = vector.broadcast %lt3A_518 : i32 to vector<2504x128xi32>
    %lt3A_520 = arith.cmpi slt, %get3A_1, %lt3A_519 : vector<2504x128xi32>
    %convert_element_type3A_521 = arith.extui %lt3A_520 : vector<2504x128xi1> to vector<2504x128xi32>
    %convert_element_type3A_522 = arith.sitofp %convert_element_type3A_521 : vector<2504x128xi32> to vector<2504x128xf32>
    %reduce_sum3A_523 = vector.shape_cast %convert_element_type3A_522 : vector<2504x128xf32> to vector<1x2504x128xf32>
    %reduce_sum3A_524 = arith.constant dense<0.000000e+00> : vector<1xf32>
    %reduce_sum3A_525 = vector.multi_reduction <add>, %reduce_sum3A_523, %reduce_sum3A_524 [1, 2] : vector<1x2504x128xf32> to vector<1xf32>
    %reduce_sum3A_526 = vector.shape_cast %reduce_sum3A_525 : vector<1xf32> to vector<1x1x1xf32>
    %reduce_sum3A_527 = vector.extract %reduce_sum3A_526[0, 0, 0] : f32 from vector<1x1x1xf32>
    %eq3A_528 = arith.constant 29 : i32
    %eq3A_529 = vector.broadcast %eq3A_528 : i32 to vector<1x128xi32>
    %eq3A_530 = arith.cmpi eq, %iota3A, %eq3A_529 : vector<1x128xi32>
    %jit3A_531 = arith.constant 0.000000e+00 : f32
    %broadcast_in_dim3A_532 = vector.broadcast %reduce_sum3A_527 : f32 to vector<1x128xf32>
    %broadcast_in_dim3A_533 = vector.broadcast %jit3A_531 : f32 to vector<1x128xf32>
    %select_n3A_534 = arith.select %eq3A_530, %broadcast_in_dim3A_532, %broadcast_in_dim3A_533 : vector<1x128xi1>, vector<1x128xf32>
    %add3A_535 = arith.addf %add3A_517, %select_n3A_534 : vector<1x128xf32>
    %lt3A_536 = arith.constant 480 : i32
    %lt3A_537 = vector.broadcast %lt3A_536 : i32 to vector<2504x128xi32>
    %lt3A_538 = arith.cmpi slt, %get3A_1, %lt3A_537 : vector<2504x128xi32>
    %convert_element_type3A_539 = arith.extui %lt3A_538 : vector<2504x128xi1> to vector<2504x128xi32>
    %convert_element_type3A_540 = arith.sitofp %convert_element_type3A_539 : vector<2504x128xi32> to vector<2504x128xf32>
    %reduce_sum3A_541 = vector.shape_cast %convert_element_type3A_540 : vector<2504x128xf32> to vector<1x2504x128xf32>
    %reduce_sum3A_542 = arith.constant dense<0.000000e+00> : vector<1xf32>
    %reduce_sum3A_543 = vector.multi_reduction <add>, %reduce_sum3A_541, %reduce_sum3A_542 [1, 2] : vector<1x2504x128xf32> to vector<1xf32>
    %reduce_sum3A_544 = vector.shape_cast %reduce_sum3A_543 : vector<1xf32> to vector<1x1x1xf32>
    %reduce_sum3A_545 = vector.extract %reduce_sum3A_544[0, 0, 0] : f32 from vector<1x1x1xf32>
    %eq3A_546 = arith.constant 30 : i32
    %eq3A_547 = vector.broadcast %eq3A_546 : i32 to vector<1x128xi32>
    %eq3A_548 = arith.cmpi eq, %iota3A, %eq3A_547 : vector<1x128xi32>
    %jit3A_549 = arith.constant 0.000000e+00 : f32
    %broadcast_in_dim3A_550 = vector.broadcast %reduce_sum3A_545 : f32 to vector<1x128xf32>
    %broadcast_in_dim3A_551 = vector.broadcast %jit3A_549 : f32 to vector<1x128xf32>
    %select_n3A_552 = arith.select %eq3A_548, %broadcast_in_dim3A_550, %broadcast_in_dim3A_551 : vector<1x128xi1>, vector<1x128xf32>
    %add3A_553 = arith.addf %add3A_535, %select_n3A_552 : vector<1x128xf32>
    %lt3A_554 = arith.constant 496 : i32
    %lt3A_555 = vector.broadcast %lt3A_554 : i32 to vector<2504x128xi32>
    %lt3A_556 = arith.cmpi slt, %get3A_1, %lt3A_555 : vector<2504x128xi32>
    %convert_element_type3A_557 = arith.extui %lt3A_556 : vector<2504x128xi1> to vector<2504x128xi32>
    %convert_element_type3A_558 = arith.sitofp %convert_element_type3A_557 : vector<2504x128xi32> to vector<2504x128xf32>
    %reduce_sum3A_559 = vector.shape_cast %convert_element_type3A_558 : vector<2504x128xf32> to vector<1x2504x128xf32>
    %reduce_sum3A_560 = arith.constant dense<0.000000e+00> : vector<1xf32>
    %reduce_sum3A_561 = vector.multi_reduction <add>, %reduce_sum3A_559, %reduce_sum3A_560 [1, 2] : vector<1x2504x128xf32> to vector<1xf32>
    %reduce_sum3A_562 = vector.shape_cast %reduce_sum3A_561 : vector<1xf32> to vector<1x1x1xf32>
    %reduce_sum3A_563 = vector.extract %reduce_sum3A_562[0, 0, 0] : f32 from vector<1x1x1xf32>
    %eq3A_564 = arith.constant 31 : i32
    %eq3A_565 = vector.broadcast %eq3A_564 : i32 to vector<1x128xi32>
    %eq3A_566 = arith.cmpi eq, %iota3A, %eq3A_565 : vector<1x128xi32>
    %jit3A_567 = arith.constant 0.000000e+00 : f32
    %broadcast_in_dim3A_568 = vector.broadcast %reduce_sum3A_563 : f32 to vector<1x128xf32>
    %broadcast_in_dim3A_569 = vector.broadcast %jit3A_567 : f32 to vector<1x128xf32>
    %select_n3A_570 = arith.select %eq3A_566, %broadcast_in_dim3A_568, %broadcast_in_dim3A_569 : vector<1x128xi1>, vector<1x128xf32>
    %add3A_571 = arith.addf %add3A_553, %select_n3A_570 : vector<1x128xf32>
    %lt3A_572 = arith.constant 512 : i32
    %lt3A_573 = vector.broadcast %lt3A_572 : i32 to vector<2504x128xi32>
    %lt3A_574 = arith.cmpi slt, %get3A_1, %lt3A_573 : vector<2504x128xi32>
    %convert_element_type3A_575 = arith.extui %lt3A_574 : vector<2504x128xi1> to vector<2504x128xi32>
    %convert_element_type3A_576 = arith.sitofp %convert_element_type3A_575 : vector<2504x128xi32> to vector<2504x128xf32>
    %reduce_sum3A_577 = vector.shape_cast %convert_element_type3A_576 : vector<2504x128xf32> to vector<1x2504x128xf32>
    %reduce_sum3A_578 = arith.constant dense<0.000000e+00> : vector<1xf32>
    %reduce_sum3A_579 = vector.multi_reduction <add>, %reduce_sum3A_577, %reduce_sum3A_578 [1, 2] : vector<1x2504x128xf32> to vector<1xf32>
    %reduce_sum3A_580 = vector.shape_cast %reduce_sum3A_579 : vector<1xf32> to vector<1x1x1xf32>
    %reduce_sum3A_581 = vector.extract %reduce_sum3A_580[0, 0, 0] : f32 from vector<1x1x1xf32>
    %eq3A_582 = arith.constant 32 : i32
    %eq3A_583 = vector.broadcast %eq3A_582 : i32 to vector<1x128xi32>
    %eq3A_584 = arith.cmpi eq, %iota3A, %eq3A_583 : vector<1x128xi32>
    %jit3A_585 = arith.constant 0.000000e+00 : f32
    %broadcast_in_dim3A_586 = vector.broadcast %reduce_sum3A_581 : f32 to vector<1x128xf32>
    %broadcast_in_dim3A_587 = vector.broadcast %jit3A_585 : f32 to vector<1x128xf32>
    %select_n3A_588 = arith.select %eq3A_584, %broadcast_in_dim3A_586, %broadcast_in_dim3A_587 : vector<1x128xi1>, vector<1x128xf32>
    %add3A_589 = arith.addf %add3A_571, %select_n3A_588 : vector<1x128xf32>
    %convert_element_type3A_590 = arith.fptosi %add3A_589 : vector<1x128xf32> to vector<1x128xi32>
    %swap3A = arith.constant 0 : index
    %swap3A_591 = arith.constant 0 : index
    %swap3A_592 = vector.load %arg2[%swap3A, %swap3A_591] : memref<1x128xi32, #tpu.memory_space<vmem>>, vector<1x128xi32>
    tpu.vector_store %arg2[%swap3A, %swap3A_591], %convert_element_type3A_590 {strides = array<i32>} : memref<1x128xi32, #tpu.memory_space<vmem>>, vector<1x128xi32>,
    return
  }
  func.func @transform_0(%arg0: i32) -> (i32, i32) {
    %c0_i32 = arith.constant 0 : i32
    %c0_i32_0 = arith.constant 0 : i32
    %c0_i32_1 = arith.constant 0 : i32
    return %c0_i32, %c0_i32_0 : i32, i32
  }
  func.func @transform_1(%arg0: i32) -> (i32, i32) {
    %c0_i32 = arith.constant 0 : i32
    %c0_i32_0 = arith.constant 0 : i32
    %c0_i32_1 = arith.constant 0 : i32
    return %c0_i32, %c0_i32_0 : i32, i32
  }
}

module attributes {stable_mosaic.version = 14 : i64} {
  func.func @_tail_body(%arg0: i32, %arg1: memref<512x256xf32, #tpu.memory_space<vmem>>, %arg2: memref<256x64xf32, #tpu.memory_space<vmem>>, %arg3: memref<1x64xf32, #tpu.memory_space<vmem>>, %arg4: memref<64x1xf32, #tpu.memory_space<vmem>>, %arg5: memref<1x1xf32, #tpu.memory_space<vmem>>, %arg6: memref<512x1xf32, #tpu.memory_space<vmem>>) attributes {dimension_semantics = [#tpu.dimension_semantics<arbitrary>], iteration_bounds = array<i64: 1>, scalar_prefetch = 0 : i64, scratch_operands = 0 : i64, tpu.core_type = #tpu.core_type<tc>, window_params = [{pipeline_mode = #tpu.pipeline_mode<synchronous>, transform_indices = @transform_0, window_bounds = array<i64: 512, 256>}, {pipeline_mode = #tpu.pipeline_mode<synchronous>, transform_indices = @transform_1, window_bounds = array<i64: 256, 64>}, {pipeline_mode = #tpu.pipeline_mode<synchronous>, transform_indices = @transform_2, window_bounds = array<i64: 1, 64>}, {pipeline_mode = #tpu.pipeline_mode<synchronous>, transform_indices = @transform_3, window_bounds = array<i64: 64, 1>}, {pipeline_mode = #tpu.pipeline_mode<synchronous>, transform_indices = @transform_4, window_bounds = array<i64: 1, 1>}, {pipeline_mode = #tpu.pipeline_mode<synchronous>, transform_indices = @transform_5, window_bounds = array<i64: 512, 1>}]} {
    %get3A = arith.constant 0 : index
    %get3A_0 = arith.constant 0 : index
    %get3A_1 = vector.load %arg1[%get3A, %get3A_0] : memref<512x256xf32, #tpu.memory_space<vmem>>, vector<512x256xf32>
    %abs3A = math.absf %get3A_1 : vector<512x256xf32>
    %neg3A = arith.constant 0.000000e+00 : f32
    %neg3A_2 = vector.broadcast %neg3A : f32 to vector<512x256xf32>
    %neg3A_3 = arith.subf %neg3A_2, %abs3A : vector<512x256xf32>
    %mul3A = arith.constant 1.44269502 : f32
    %mul3A_4 = vector.broadcast %mul3A : f32 to vector<512x256xf32>
    %mul3A_5 = arith.mulf %neg3A_3, %mul3A_4 : vector<512x256xf32>
    %exp23A = math.exp2 %mul3A_5 : vector<512x256xf32>
    %max3A = arith.constant 0.000000e+00 : f32
    %max3A_6 = vector.broadcast %max3A : f32 to vector<512x256xf32>
    %max3A_7 = arith.maximumf %get3A_1, %max3A_6 : vector<512x256xf32>
    %add3A = arith.constant 1.000000e+00 : f32
    %add3A_8 = vector.broadcast %add3A : f32 to vector<512x256xf32>
    %add3A_9 = arith.addf %add3A_8, %exp23A : vector<512x256xf32>
    %log3A = math.log %add3A_9 : vector<512x256xf32>
    %log3A_10 = arith.constant 2.000000e+00 : f32
    %log3A_11 = math.log %log3A_10 : f32
    %div3A = vector.broadcast %log3A_11 : f32 to vector<512x256xf32>
    %div3A_12 = arith.divf %log3A, %div3A : vector<512x256xf32>
    %mul3A_13 = arith.constant 0.693147182 : f32
    %mul3A_14 = vector.broadcast %mul3A_13 : f32 to vector<512x256xf32>
    %mul3A_15 = arith.mulf %mul3A_14, %div3A_12 : vector<512x256xf32>
    %add3A_16 = arith.addf %max3A_7, %mul3A_15 : vector<512x256xf32>
    %get3A_17 = arith.constant 0 : index
    %get3A_18 = arith.constant 0 : index
    %get3A_19 = vector.load %arg2[%get3A_17, %get3A_18] : memref<256x64xf32, #tpu.memory_space<vmem>>, vector<256x64xf32>
    %dot_general3A = arith.constant dense<0.000000e+00> : vector<512x64xf32>
    %dot_general3A_20 = tpu.matmul %add3A_16, %get3A_19, %dot_general3A {dimension_numbers = #tpu.dot_dimension_numbers<[1], [0], [0], [1], [0, 0, 1, 1], [], []>, transpose_lhs_hint = false} : vector<512x256xf32>, vector<256x64xf32>, vector<512x64xf32> -> vector<512x64xf32>
    %get3A_21 = arith.constant 0 : index
    %get3A_22 = arith.constant 0 : index
    %get3A_23 = vector.load %arg3[%get3A_21, %get3A_22] : memref<1x64xf32, #tpu.memory_space<vmem>>, vector<1x64xf32>
    %add3A_24 = vector.broadcast %get3A_23 : vector<1x64xf32> to vector<512x64xf32>
    %add3A_25 = arith.addf %dot_general3A_20, %add3A_24 : vector<512x64xf32>
    %abs3A_26 = math.absf %add3A_25 : vector<512x64xf32>
    %neg3A_27 = arith.constant 0.000000e+00 : f32
    %neg3A_28 = vector.broadcast %neg3A_27 : f32 to vector<512x64xf32>
    %neg3A_29 = arith.subf %neg3A_28, %abs3A_26 : vector<512x64xf32>
    %mul3A_30 = arith.constant 1.44269502 : f32
    %mul3A_31 = vector.broadcast %mul3A_30 : f32 to vector<512x64xf32>
    %mul3A_32 = arith.mulf %neg3A_29, %mul3A_31 : vector<512x64xf32>
    %exp23A_33 = math.exp2 %mul3A_32 : vector<512x64xf32>
    %max3A_34 = arith.constant 0.000000e+00 : f32
    %max3A_35 = vector.broadcast %max3A_34 : f32 to vector<512x64xf32>
    %max3A_36 = arith.maximumf %add3A_25, %max3A_35 : vector<512x64xf32>
    %add3A_37 = arith.constant 1.000000e+00 : f32
    %add3A_38 = vector.broadcast %add3A_37 : f32 to vector<512x64xf32>
    %add3A_39 = arith.addf %add3A_38, %exp23A_33 : vector<512x64xf32>
    %log3A_40 = math.log %add3A_39 : vector<512x64xf32>
    %log3A_41 = arith.constant 2.000000e+00 : f32
    %log3A_42 = math.log %log3A_41 : f32
    %div3A_43 = vector.broadcast %log3A_42 : f32 to vector<512x64xf32>
    %div3A_44 = arith.divf %log3A_40, %div3A_43 : vector<512x64xf32>
    %mul3A_45 = arith.constant 0.693147182 : f32
    %mul3A_46 = vector.broadcast %mul3A_45 : f32 to vector<512x64xf32>
    %mul3A_47 = arith.mulf %mul3A_46, %div3A_44 : vector<512x64xf32>
    %add3A_48 = arith.addf %max3A_36, %mul3A_47 : vector<512x64xf32>
    %get3A_49 = arith.constant 0 : index
    %get3A_50 = arith.constant 0 : index
    %get3A_51 = vector.load %arg4[%get3A_49, %get3A_50] : memref<64x1xf32, #tpu.memory_space<vmem>>, vector<64x1xf32>
    %dot_general3A_52 = arith.constant dense<0.000000e+00> : vector<512x1xf32>
    %dot_general3A_53 = tpu.matmul %add3A_48, %get3A_51, %dot_general3A_52 {dimension_numbers = #tpu.dot_dimension_numbers<[1], [0], [0], [1], [0, 0, 1, 1], [], []>, transpose_lhs_hint = false} : vector<512x64xf32>, vector<64x1xf32>, vector<512x1xf32> -> vector<512x1xf32>
    %get3A_54 = arith.constant 0 : index
    %get3A_55 = arith.constant 0 : index
    %get3A_56 = vector.load %arg5[%get3A_54, %get3A_55] : memref<1x1xf32, #tpu.memory_space<vmem>>, vector<1x1xf32>
    %add3A_57 = vector.broadcast %get3A_56 : vector<1x1xf32> to vector<512x1xf32>
    %add3A_58 = arith.addf %dot_general3A_53, %add3A_57 : vector<512x1xf32>
    %swap3A = arith.constant 0 : index
    %swap3A_59 = arith.constant 0 : index
    %swap3A_60 = vector.load %arg6[%swap3A, %swap3A_59] : memref<512x1xf32, #tpu.memory_space<vmem>>, vector<512x1xf32>
    tpu.vector_store %arg6[%swap3A, %swap3A_59], %add3A_58 {strides = array<i32>} : memref<512x1xf32, #tpu.memory_space<vmem>>, vector<512x1xf32>,
    return
  }
  func.func @transform_0(%arg0: i32) -> (i32, i32) {
    %c0_i32 = arith.constant 0 : i32
    %c0_i32_0 = arith.constant 0 : i32
    %c0_i32_1 = arith.constant 0 : i32
    return %c0_i32, %c0_i32_0 : i32, i32
  }
  func.func @transform_1(%arg0: i32) -> (i32, i32) {
    %c0_i32 = arith.constant 0 : i32
    %c0_i32_0 = arith.constant 0 : i32
    %c0_i32_1 = arith.constant 0 : i32
    return %c0_i32, %c0_i32_0 : i32, i32
  }
  func.func @transform_2(%arg0: i32) -> (i32, i32) {
    %c0_i32 = arith.constant 0 : i32
    %c0_i32_0 = arith.constant 0 : i32
    %c0_i32_1 = arith.constant 0 : i32
    return %c0_i32, %c0_i32_0 : i32, i32
  }
  func.func @transform_3(%arg0: i32) -> (i32, i32) {
    %c0_i32 = arith.constant 0 : i32
    %c0_i32_0 = arith.constant 0 : i32
    %c0_i32_1 = arith.constant 0 : i32
    return %c0_i32, %c0_i32_0 : i32, i32
  }
  func.func @transform_4(%arg0: i32) -> (i32, i32) {
    %c0_i32 = arith.constant 0 : i32
    %c0_i32_0 = arith.constant 0 : i32
    %c0_i32_1 = arith.constant 0 : i32
    return %c0_i32, %c0_i32_0 : i32, i32
  }
  func.func @transform_5(%arg0: i32) -> (i32, i32) {
    %c0_i32 = arith.constant 0 : i32
    %c0_i32_0 = arith.constant 0 : i32
    %c0_i32_1 = arith.constant 0 : i32
    return %c0_i32, %c0_i32_0 : i32, i32
  }
}

</mosaic_0001>

<sc_bundles>
// kernel: kernel.6.cloned.1.call-start
scs
__scs_entry_jumppad:
0x0: {  	(pc) =	sbr.rel $0x88, $3  }
0x1: {  	(tag) =	ssettag $0x0;
	lr =	simm.s32 $0x1  }
0x2: {  	[smem:$0x3F99] =	sst lr;
	_ =	strace $0xD0000000  }
0x3: {  	_ = 	snop  }
0x4: {  	_ = 	snop  }
0x5: {  	_ = 	snop  }
0x6: {  	_ = 	snop  }
0x7: {  	_ = 	snop  }
__scs_overlays_trampoline_lowered:
0x8: {  	[smem:$0x3FA8] =	sst s0  }
0x9: {  	[smem:$0x3FA9] =	sst s1  }
0xa: {  	[smem:$0x3FAA] =	sst s2  }
0xb: {  	[smem:$0x3FAB] =	sst s3  }
0xc: {  	[smem:$0x3FAC] =	sst s4  }
0xd: {  	[smem:$0x3FAD] =	sst s5  }
0xe: {  	[smem:$0x3FAE] =	sst s6  }
0xf: {  	[smem:$0x3FAF] =	sst s7  }
0x10: {  	[smem:$0x3FB0] =	sst s8  }
0x11: {  	[smem:$0x3FB1] =	sst s9;
	s0 =	simm.s32 @!p0 $0x0  }
0x12: {  	s1 =	sld [smem:$0x3F97];
	s0 =	simm.s32 @p0 $0x1  }
0x13: {  	[smem:$0x3FB2] =	sst s0;
	s0 =	simm.s32 @!p1 $0x0  }
0x14: {  	s2 =	sld [smem:$0x3F96];
	s0 =	simm.s32 @p1 $0x1  }
0x15: {  	[smem:$0x3FB3] =	sst s0;
	s0 =	simm.s32 @!p2 $0x0  }
0x16: {  	s3 =	sld [smem:$0x3FDB];
	s0 =	simm.s32 @p2 $0x1  }
0x17: {  	s4 =	simm.s32 $0x1BF5;
	[smem:$0x3FB5] =	sst s0  }
0x18: {  	s0 =	sld [smem:$0x3F98];
	_ =	swait.ge [sflag:s4], $0x0  }
0x19: {  	s7 =	sld [smem:$0x3F99]  }
0x1a: {  	s8 =	sadd.s32 $0xFFFFE003, lr  }
0x1b: {  	s9 =	sadd.s32 $0xFFFFFEF7, lr;
	s5 =	simm.s32 $0xFFFFFFFF;
	p2 =	slt.u32 s8, $0xFFFFF086  }
0x1c: {  	p1 =	slt.u32 s9, $0xF7A;
	s5 =	simm.s32 @!p2 $0x0  }
0x1d: {  	s5 =	simm.s32 @p1 $0x1;
	p0 =	seq.s32 s7, s2  }
0x1e: {  	s7 =	smul.u32 @!p0 $0xF7A, s2;
	p2 =	seq.s32 @!p0 s5, $0x0  }
0x1f: {  	s9 =	smul.u32 $0xF7A, s1;
	s8 =	simm.s32 @!p0 $0x1BF5;
	p2 =	por !p2, p0  }
0x20: {  	[sflag:s8] =	ssyncset.s32 @!p0 $0xFFFFF086;
	s6 =	sadd.s32 @!p0 s3, s7;
	s7 =	simm.s32 @!p0 $0x108  }
0x21: {  	s3 =	sadd.s32 s3, s9;
	s6 =	sadd.s32 @!p0 $0x88, s6;
	s7 =	simm.s32 @p2 $0x1082  }
0x22: {  	[simem:s7], [sflag:s8] =	dma.local @!p0 [hbm:s6], $0xF7A  }
0x23: {  	s9 =	sor.u32 $0xD0000000, s2;
	s6 =	simm.s32 $0x108;
	_ =	swait.ge @!p0 [sflag:s8], $0x0  }
0x24: {  	s3 =	sadd.s32 $0x88, s3;
	s6 =	simm.s32 @!p1 $0x1082;
	[sflag:s4] =	ssyncset.s32 $0xFFFFF086  }
0x25: {  	[simem:s6], [sflag:s4] =	dma.local [hbm:s3], $0xF7A  }
0x26: {  	[smem:$0x3F99] =	sst s1;
	(tag) =	ssettag s2;
	_ =	strace s9  }
0x27: {  	s1 =	sld [smem:$0x3FA9]  }
0x28: {  	s2 =	sld [smem:$0x3FAA]  }
0x29: {  	s4 =	sld [smem:$0x3FAC]  }
0x2a: {  	p0 =	seq.s32 s5, $0x0;
	s5 =	sld [smem:$0x3FAD]  }
0x2b: {  	s6 =	sld [smem:$0x3FAE]  }
0x2c: {  	s7 =	sld [smem:$0x3FAF]  }
0x2d: {  	s3 =	simm.s32 $0x108;
	s8 =	sld [smem:$0x3FB0]  }
0x2e: {  	s3 =	simm.s32 @!p0 $0x1082;
	s9 =	sld [smem:$0x3FB1]  }
0x2f: {  	lr =	sadd.s32 s0, s3;
	s0 =	sld [smem:$0x3FA8]  }
0x30: {  	s3 =	sld [smem:$0x3FAB]  }
0x31: {  	[smem:$0x3FB4] =	sst s10  }
0x32: {  	s10 =	sld [smem:$0x3FB2];
	_ =	sdelay $0x3  }
0x33: {  	p0 =	seq.s32 s10, $0x1;
	s10 =	sld [smem:$0x3FB4];
	_ =	sdelay $0x3  }
0x34: {  	[smem:$0x3FB4] =	sst s10  }
0x35: {  	s10 =	sld [smem:$0x3FB3];
	_ =	sdelay $0x3  }
0x36: {  	p1 =	seq.s32 s10, $0x1;
	s10 =	sld [smem:$0x3FB4];
	_ =	sdelay $0x3  }
0x37: {  	[smem:$0x3FB4] =	sst s10  }
0x38: {  	s10 =	sld [smem:$0x3FB5]  }
0x39: {  	_ = 	snop;
	(pc) =	sbr.ind lr, $3  }
0x3a: {  	_ = 	snop  }
0x3b: {  	_ = 	snop  }
0x3c: {  	p2 =	seq.s32 s10, $0x1;
	s10 =	sld [smem:$0x3FB4]  }
0x3d: {  	_ =	shalt  }
0x3e: {  	_ =	shalt  }
0x3f: {  	_ =	shalt  }
0x40: {  	_ =	shalt  }
0x41: {  	_ =	shalt  }
0x42: {  	_ =	shalt  }
0x43: {  	_ =	shalt  }
0x44: {  	_ =	shalt  }
0x45: {  	_ =	shalt  }
0x46: {  	_ =	shalt  }
0x47: {  	_ =	shalt  }
0x48: {  	_ =	shalt  }
0x49: {  	_ =	shalt  }
0x4a: {  	_ =	shalt  }
0x4b: {  	_ =	shalt  }
0x4c: {  	_ =	shalt  }
0x4d: {  	_ =	shalt  }
0x4e: {  	_ =	shalt  }
0x4f: {  	_ =	shalt  }
0x50: {  	_ =	shalt  }
0x51: {  	_ =	shalt  }
0x52: {  	_ =	shalt  }
0x53: {  	_ =	shalt  }
0x54: {  	_ =	shalt  }
0x55: {  	_ =	shalt  }
0x56: {  	_ =	shalt  }
0x57: {  	_ =	shalt  }
0x58: {  	_ =	shalt  }
0x59: {  	_ =	shalt  }
0x5a: {  	_ =	shalt  }
0x5b: {  	_ =	shalt  }
0x5c: {  	_ =	shalt  }
0x5d: {  	_ =	shalt  }
0x5e: {  	_ =	shalt  }
0x5f: {  	_ =	shalt  }
0x60: {  	_ =	shalt  }
0x61: {  	_ =	shalt  }
0x62: {  	_ =	shalt  }
0x63: {  	_ =	shalt  }
0x64: {  	_ =	shalt  }
0x65: {  	_ =	shalt  }
0x66: {  	_ =	shalt  }
0x67: {  	_ =	shalt  }
0x68: {  	_ =	shalt  }
0x69: {  	_ =	shalt  }
0x6a: {  	_ =	shalt  }
0x6b: {  	_ =	shalt  }
0x6c: {  	_ =	shalt  }
0x6d: {  	_ =	shalt  }
0x6e: {  	_ =	shalt  }
0x6f: {  	_ =	shalt  }
0x70: {  	_ =	shalt  }
0x71: {  	_ =	shalt  }
0x72: {  	_ =	shalt  }
0x73: {  	_ =	shalt  }
0x74: {  	_ =	shalt  }
0x75: {  	_ =	shalt  }
0x76: {  	_ =	shalt  }
0x77: {  	_ =	shalt  }
0x78: {  	_ =	shalt  }
0x79: {  	_ =	shalt  }
0x7a: {  	_ =	shalt  }
0x7b: {  	_ =	shalt  }
0x7c: {  	_ =	shalt  }
0x7d: {  	_ =	shalt  }
0x7e: {  	_ =	shalt  }
0x7f: {  	_ =	shalt  }
0x80: {  	_ =	shalt  }
0x81: {  	_ =	shalt  }
0x82: {  	_ =	shalt  }
0x83: {  	_ =	shalt  }
0x84: {  	_ =	shalt  }
0x85: {  	_ =	shalt  }
0x86: {  	_ =	shalt  }
0x87: {  	_ =	shalt  }
.Lfunc_end0:
.L_simem_size_0:
called_computation_lowered:
.L_overlay_start_0:
0x88: {  	s2 =	sld [smem:$0x3FD9]  }
0x89: {  	s3 =	sld [smem:$0x3FFE];
	_ =	sdelay $0x1  }
0x8a: {  	s1 =	srdreg.scid  }
0x8b: {  	s0 =	sand.u32 $0x1, s1  }
0x8c: {  	s17 =	sshll.u32 s0, $0xA;
	s2 =	sadd.s32 s3, s2  }
0x8d: {  	s2 =	sadd.s32 s2, s17  }
0x8e: {  	[smem:$0x3FC0] =	sst s2  }
0x8f: {  	_ = 	snop  }
0x90: {  	s2 =	sld [smem:$0x3FC8]  }
0x91: {  	s18 =	sld [smem:$0x3FD0];
	(tm) =	ssettm $0x1  }
0x92: {  	s4 =	sld [smem:$0x3FFB];
	_ =	sdelay $0x3  }
0x93: {  	_ =	strace s4  }
0x94: {  	s4 =	sld [smem:$0x3FFC];
	_ =	sdelay $0x3  }
0x95: {  	_ =	strace s4  }
0x96: {  	s4 =	sld [smem:$0x3FFD];
	_ =	sdelay $0x3  }
0x97: {  	_ =	strace s4  }
0x98: {  	_ =	strace $0x8FFFFFFF  }
0x99: {  	s19 =	sld [smem:$0x3FDB];
	_ =	sdelay $0x1  }
0x9a: {  	s5 =	simm.s32 $_scs_section_size  }
0x9b: {  	s6 =	simm.s32 $_size__tile_overlayer_lowered;
	s7 =	simm.s32 $_tile_overlayer_lowered  }
0x9c: {  	s22 =	simm.s32 $0x1BFF;
	s21 =	sshll.u32 s7, $0x1;
	s4 =	sadd.s32 s5, s19  }
0x9d: {  	s8 =	simm.s32 $0x0;
	s20 =	sshll.u32 s6, $0x1;
	s6 =	sadd.s32 s21, s4  }
0x9e: {  	[timem:s8], [sflag:s22] =	dma.local [hbm:s6], s20  }
0x9f: {  	_ =	swait.ge [sflag:s22], s20  }
0xa0: {  	s5 =	ssub.s32 $0x0, s20;
	[sflag:s22] =	ssyncset.done $0x0  }
0xa1: {  	[sflag:s22] =	ssyncadd.s32 s5;
	_ =	sdelay $0x1  }
0xa2: {  	s23 =	simm.s32 $0x1B8B  }
0xa3: {  	_ =	swait.ge [sflag:s23], $0x1  }
0xa4: {  	[sflag:s23] =	ssyncset.done $0x0  }
0xa5: {  	s25 =	simm.s32 $0x1B8E;
	s24 =	sld [smem:$0x3FFE];
	[sflag:s23] =	ssyncadd.s32 $0xFFFFFFFF  }
0xa6: {  	s26 =	simm.s32 $execute0_lowered;
	[smem:$0x3FD2] =	sst s25  }
0xa7: {  	s6 =	sshll.u32 s26, $0x1;
	_ =	strace $0x80000046;
	[dreg:$0x1] =	wrdreg $0xFFFFFFFF  }
0xa8: {  	s28 =	simm.s32 $_size_execute0_lowered;
	s4 =	sadd.s32 s4, s6;
	[dreg:$0x0] =	wrdreg $0x0  }
0xa9: {  	s6 =	sshll.u32 s28, $0x1;
	[dreg:$0x2] =	wrdreg s4  }
0xaa: {  	[dreg:$0x3] =	wrdreg s6  }
0xab: {  	[dreg:$0x4] =	wrdreg $0xC0  }
0xac: {  	_ =	task [dreg:s8], $0x5FFFF  }
0xad: {  	[dreg:$0x1] =	wrdreg $0xFFFFFFFF  }
0xae: {  	[dreg:$0x0] =	wrdreg $0x60  }
0xaf: {  	[dreg:$0x2] =	wrdreg s24  }
0xb0: {  	[dreg:$0x3] =	wrdreg s2  }
0xb1: {  	[dreg:$0x4] =	wrdreg s18  }
0xb2: {  	[dreg:$0x5] =	wrdreg $0x9  }
0xb3: {  	_ =	task.clear_ibuf [dreg:s8], $0x6FFFF;
	_ =	strace $0x90000046  }
0xb4: {  	s29 =	simm.s32 $0x9;
	_ =	strace $0x80000048  }
0xb5: {  	_ =	swait.ge [sflag:s29], $0x1  }
0xb6: {  	[sflag:s29] =	ssyncadd.s32 $0xFFFFFFFF  }
0xb7: {  	_ =	strace $0x90000048  }
0xb8: {  	_ =	sfence  }
0xb9: {  	s30 =	sld [smem:$0x0];
	_ =	sdelay $0x2  }
0xba: {  	s31 =	sshll.u32 s1, $0xD;
	s1 =	sshrl.u32 s1, $0x2  }
0xbb: {  	s3 =	sand.u32 $0x4000, s31;
	s1 =	sadd.s32 s1, s30  }
0xbc: {  	s0 =	sor.u32 s3, s0;
	s1 =	sshll.u32 s1, $0x11  }
0xbd: {  	s0 =	sor.u32 s1, s0  }
0xbe: {  	s0 =	sadd.s32 $0x8F2B, s0  }
0xbf: {  	[sflag:s0] =	ssyncadd.remote.s32 $0x1  }
0xc0: {  	_ =	sfence.sel $0xFFFF  }
0xc1: {  	[dreg:$0x0] =	wrdreg $0xFFFFFFFF;
	(pc) =	sbr.abs _section_cstart, $3  }
0xc2: {  	[dreg:$0x1] =	wrdreg $0xFFFFFFFF  }
0xc3: {  	_ =	task.clear_ibuf [dreg:s8], $0x2FFFF;
	_ =	strace $0x9FFFFFFF  }
0xc4: {  	(tm) =	ssettm $0x7FFFFFFF  }
0xc5: {  	_ =	shalt  }
tec
execute0_lowered:
.L_overlay_start_1:
0x0: {  	(tag) =	ssettag $0x1  }
0x1: {  	s0 =	srdreg.scid  }
0x2: {  	s6 =	sand.u32 $0x1, s0  }
0x3: {  	s26 =	stileid.u32;
	s1 =	sshll.u32 s6, $0x4  }
0x4: {  	s28 =	sand.u32 $0x7, s26;
	s8 =	sor.u32 s26, s1  }
0x5: {  	s7 =	rddreg [dreg:$0x0];
	p1 =	sne.s32 s28, $0x0;
	p0 =	seq.s32 s8, $0x0  }
0x6: {  	s2 =	rddreg [dreg:$0x1];
	p0 =	por !p1, !p0  }
0x7: {  	s3 =	rddreg [dreg:$0x2];
	s5 =	simm.s32 $0xFFFFFFFF;
	p0 =	por !p0, !p0  }
0x8: {  	s4 =	simm.s32 $0x0;
	s13 =	simm.s32 $0x8980;
	s5 =	simm.s32 @!p0 $0x0  }
0x9: {  	s14 =	simm.s32 $0x0;
	[smem:$0x7FF] =	sst s4;
	s9 =	sshll.u32 s5, $0x3  }
0xa: {  	_ =	strace $0x80000047;
	s10 =	ssub.s32 $0x2, s6;
	s29 =	sadd.s32 s8, s9  }
.Ltmp0:
0xb: {  	s11 =	sshrl.u32 s10, $0x1;
	s6 =	sand.u32 $0xFFFFFFF8, s29;
	(pc) =	sbr.rel .LBB2_1-.Ltmp0, $4  }
0xc: {  	s30 =	sshll.u32 s8, $0x9;
	s10 =	ssub.s32 s10, s11;
	s31 =	ssub.s32 s8, s6  }
0xd: {  	s11 =	simm.s32 $0x180;
	s9 =	sadd.s32 s30, s7;
	s12 =	sadd.s32 $0x1, s31  }
0xe: {  	v0 =	vlaneseq.u32;
	s5 =	sadd.s32 $0x1200, s7;
	s7 =	sshll.u32 s8, $0x4;
	s8 =	sadd.s32 $0x9C5200, s9;
	v2 =	vmov s31;
	v3 =	vmov s12  }
0xf: {  	v1 =	vimm.f32 $0.0e+00;
	s9 =	smax.u32 s10, $0x1;
	s10 =	simm.s32 $0x1;
	vm1 =	veq.s32 v2, v0;
	s12 =	simm.s32 $0x80;
	vm0 =	veq.s32 v3, v0  }
.LBB2_10:
0x10: {  	p0 =	slt.s32 s21, $0x0  }
0x11: {  	s0 =	ssub.s32 @!p0 s21, s7  }
0x12: {  	s1 =	sshll.u32 @!p0 s21, $0x7;
	s0 =	sshll.u32 @!p0 s0, $0x8  }
0x13: {  	s1 =	sand.u32 @!p0 $0x380, s1;
	s0 =	sand.u32 @!p0 $0xFFFFF800, s0  }
0x14: {  	s0 =	sor.u32 @!p0 s1, s0  }
0x15: {  	[tilespmem:s0+$0x8980] =	vst @!p0 v17  }
0x16: {  	[tilespmem:s0+$0x8990] =	vst @!p0 v16  }
0x17: {  	[tilespmem:s0+$0x89A0] =	vst @!p0 v15  }
0x18: {  	[tilespmem:s0+$0x89B0] =	vst @!p0 v14  }
0x19: {  	[tilespmem:s0+$0x89C0] =	vst @!p0 v13  }
0x1a: {  	[tilespmem:s0+$0x89D0] =	vst @!p0 v12  }
0x1b: {  	[tilespmem:s0+$0x89E0] =	vst @!p0 v11  }
0x1c: {  	[tilespmem:s0+$0x89F0] =	vst @!p0 v10  }
0x1d: {  	[tilespmem:s0+$0x8D80] =	vst @!p0 v9  }
0x1e: {  	[tilespmem:s0+$0x8D90] =	vst @!p0 v8  }
0x1f: {  	[tilespmem:s0+$0x8DA0] =	vst @!p0 v7  }
0x20: {  	[tilespmem:s0+$0x8DB0] =	vst @!p0 v6  }
0x21: {  	[tilespmem:s0+$0x8DC0] =	vst @!p0 v5  }
0x22: {  	[tilespmem:s0+$0x8DD0] =	vst @!p0 v4  }
0x23: {  	[tilespmem:s0+$0x8DE0] =	vst @!p0 v3  }
0x24: {  	[tilespmem:s0+$0x8DF0] =	vst @!p0 v2  }
.LBB2_11:
0x25: {  	s14 =	sadd.s32 $0x1, s14  }
0x26: {  	p0 =	sne.s32 s14, s9  }
.Ltmp1:
0x27: {  	_ = 	snop;
	(pc) =	sbr.rel @!p0 .LBB2_12-.Ltmp1, $4  }
0x28: {  	[hbm4b:s8+s4] =	stream.linear.scatter [tilespmem:s13], [sflag:$0x1], $0x1000, $0x38;
	[tilespmem:$0x9980] =	vst v63  }
0x29: {  	_ =	swait.ge [sflag:s10], $0x1000  }
0x2a: {  	[sflag:s10] =	ssyncset.done $0x0  }
0x2b: {  	[sflag:s10] =	ssyncadd.s32 $0xFFFFF000  }
.LBB2_1:
0x2c: {  	[tilespmem:s4], [sflag:$0x1] =	stream.linear.gather [hbm4b:s3+s4], $0x80, $0x38;
	[tilespmem:$0x9980] =	vst v63  }
0x2d: {  	_ =	swait.ge [sflag:s10], $0x80  }
0x2e: {  	s15 =	sand.u32 $0x800, s4;
	s16 =	sand.u32 $0x380, s4;
	[sflag:s10] =	ssyncset.done $0x0  }
0x2f: {  	s15 =	sor.u32 s16, s15;
	[sflag:s10] =	ssyncadd.s32 $0xFFFFFF80  }
0x30: {  	v2 =	vld [tilespmem:s6+$0x0];
	[tilespmem:s15+$0x8DF0] =	vst v1  }
0x31: {  	[tilespmem:s15+$0x8980] =	vst v1  }
0x32: {  	[tilespmem:s15+$0x8990] =	vst v1  }
0x33: {  	[tilespmem:s15+$0x89A0] =	vst v1  }
0x34: {  	[tilespmem:s15+$0x89B0] =	vst v1  }
0x35: {  	[tilespmem:s15+$0x89C0] =	vst v1  }
0x36: {  	[tilespmem:s15+$0x89D0] =	vst v1  }
0x37: {  	[tilespmem:s15+$0x89E0] =	vst v1  }
0x38: {  	[tilespmem:s15+$0x89F0] =	vst v1  }
0x39: {  	[tilespmem:s15+$0x8D80] =	vst v1  }
0x3a: {  	[tilespmem:s15+$0x8D90] =	vst v1  }
0x3b: {  	[tilespmem:s15+$0x8DA0] =	vst v1  }
0x3c: {  	[tilespmem:s15+$0x8DB0] =	vst v1  }
0x3d: {  	s17 =	simm.s32 $0x100;
	s16 =	simm.s32 $0x80;
	[tilespmem:s15+$0x8DC0] =	vst v1  }
0x3e: {  	s18 =	sand.u32 $0x800, s17;
	s17 =	simm.s32 $0x200;
	s19 =	sand.u32 $0x380, s16;
	[tilespmem:s15+$0x8DD0] =	vst v1  }
.LBB2_2:
0x3f: {  	p0 =	sne.s32 s17, $0xF00;
	[tilespmem:s15+$0x8DE0] =	vst v1;
	s15 =	sor.u32 s19, s18  }
0x40: {  	[tilespmem:s15+$0x8DF0] =	vst v1  }
0x41: {  	[tilespmem:s15+$0x8980] =	vst v1  }
0x42: {  	[tilespmem:s15+$0x8990] =	vst v1  }
0x43: {  	[tilespmem:s15+$0x89A0] =	vst v1  }
0x44: {  	[tilespmem:s15+$0x89B0] =	vst v1  }
0x45: {  	[tilespmem:s15+$0x89C0] =	vst v1  }
0x46: {  	[tilespmem:s15+$0x89D0] =	vst v1  }
0x47: {  	[tilespmem:s15+$0x89E0] =	vst v1  }
0x48: {  	[tilespmem:s15+$0x89F0] =	vst v1  }
0x49: {  	[tilespmem:s15+$0x8D80] =	vst v1  }
.Ltmp2:
0x4a: {  	[tilespmem:s15+$0x8D90] =	vst v1;
	(pc) =	sbr.rel @p0 .LBB2_2-.Ltmp2, $4  }
0x4b: {  	[tilespmem:s15+$0x8DA0] =	vst v1  }
0x4c: {  	[tilespmem:s15+$0x8DB0] =	vst v1  }
0x4d: {  	s16 =	sadd.s32 $0x80, s16;
	[tilespmem:s15+$0x8DC0] =	vst v1  }
0x4e: {  	s18 =	sand.u32 $0x800, s17;
	s17 =	sadd.s32 $0x100, s17;
	s19 =	sand.u32 $0x380, s16;
	[tilespmem:s15+$0x8DD0] =	vst v1  }
0x4f: {  	v2 =	vcvt.s32.f32 v2;
	_ =	sdelay $0x1  }
0x50: {  	v3 =	vnsel vm1, $0x0, v2  }
0x51: {  	v2 =	vnsel vm0, $0x0, v2;
	(xrf2) =	vadd.scan.msk.f32 $0xffff, v3  }
0x52: {  	(xrf2) =	vadd.scan.msk.f32 $0xffff, v2;
	_ =	sdelay $0x8  }
0x53: {  	v2, _, _ =	vpop (xrf2)  }
0x54: {  	(v2sf) =	vpush v2, $0xF;
	v2, _, _ =	vpop (xrf2)  }
0x55: {  	(v2sf) =	vpush v2, $0xF;
	_ =	sdelay $0x8  }
0x56: {  	s18 =	sor.u32 s19, s18;
	[tilespmem:s15+$0x8DE0] =	vst v1  }
0x57: {  	[tilespmem:s18+$0x8DF0] =	vst v1  }
0x58: {  	[tilespmem:s18+$0x8980] =	vst v1  }
0x59: {  	[tilespmem:s18+$0x8990] =	vst v1  }
0x5a: {  	[tilespmem:s18+$0x89A0] =	vst v1  }
0x5b: {  	[tilespmem:s18+$0x89B0] =	vst v1;
	s31 =	spop (v2sf)  }
0x5c: {  	[tilespmem:s18+$0x89C0] =	vst v1;
	s16 =	spop (v2sf)  }
0x5d: {  	[tilespmem:s18+$0x89D0] =	vst v1;
	s15 =	scvt.f32.s32 s31;
	s16 =	scvt.f32.s32 s16  }
0x5e: {  	[tilespmem:s18+$0x89E0] =	vst v1  }
0x5f: {  	[tilespmem:s18+$0x89F0] =	vst v1;
	s17 =	ssub.s32 s16, s15  }
0x60: {  	[tilespmem:s18+$0x8D80] =	vst v1;
	s17 =	sadd.s32 $0x7F, s17  }
0x61: {  	[tilespmem:s18+$0x8D90] =	vst v1;
	p0 =	slt.s32 s17, $0x80  }
.Ltmp3:
0x62: {  	[tilespmem:s18+$0x8DA0] =	vst v1;
	(pc) =	sbr.rel @p0 .LBB2_11-.Ltmp3, $4  }
0x63: {  	[tilespmem:s18+$0x8DB0] =	vst v1  }
0x64: {  	[tilespmem:s18+$0x8DC0] =	vst v1  }
0x65: {  	[tilespmem:s18+$0x8DD0] =	vst v1  }
0x66: {  	[tilespmem:s18+$0x8DE0] =	vst v1  }
0x67: {  	v2 =	vimm.f32 $0.0e+00  }
.Ltmp4:
0x68: {  	v3 =	vimm.f32 $0.0e+00;
	v4 =	vimm.f32 $0.0e+00;
	v5 =	vimm.f32 $0.0e+00;
	(pc) =	sbr.rel .LBB2_5-.Ltmp4, $4  }
0x69: {  	s18 =	sshra.s32 s17, $0x1F;
	v6 =	vimm.f32 $0.0e+00;
	v7 =	vimm.f32 $0.0e+00;
	v8 =	vimm.f32 $0.0e+00  }
0x6a: {  	v9 =	vimm.f32 $0.0e+00;
	v10 =	vimm.f32 $0.0e+00;
	v11 =	vimm.f32 $0.0e+00;
	s22 =	sand.u32 $0x7, s15;
	s19 =	sshll.u32 s15, $0x8;
	s18 =	sshrl.u32 s18, $0x19  }
0x6b: {  	v12 =	vimm.f32 $0.0e+00;
	v13 =	vimm.f32 $0.0e+00;
	v14 =	vimm.f32 $0.0e+00;
	s20 =	simm.s32 $0x0;
	s21 =	simm.s32 $0xFFFFFFFF;
	s31 =	sadd.s32 s18, s17  }
0x6c: {  	v15 =	vimm.f32 $0.0e+00;
	v16 =	vimm.f32 $0.0e+00;
	v17 =	vimm.f32 $0.0e+00;
	p0 =	sne.s32 s22, $0x0;
	s18 =	sshll.u32 s15, $0x7;
	s17 =	sshra.s32 s31, $0x7  }
.LBB2_8:
0x6d: {  	[tilespmem:s31+$0x89F0] =	vst @!p2 v10  }
0x6e: {  	[tilespmem:s31+$0x89E0] =	vst @!p2 v11  }
0x6f: {  	[tilespmem:s31+$0x89D0] =	vst @!p2 v12  }
0x70: {  	[tilespmem:s31+$0x89C0] =	vst @!p2 v13  }
0x71: {  	[tilespmem:s31+$0x89B0] =	vst @!p2 v14  }
0x72: {  	[tilespmem:s31+$0x89A0] =	vst @!p2 v15  }
0x73: {  	[tilespmem:s31+$0x8980] =	vst @!p2 v17  }
0x74: {  	[tilespmem:s31+$0x8990] =	vst @!p2 v16;
	s0 =	sor.u32 s24, s23  }
0x75: {  	v18 =	vld [tilespmem:s0+$0x5F0]  }
0x76: {  	v19 =	vld [tilespmem:s0+$0x580]  }
0x77: {  	v20 =	vld [tilespmem:s0+$0x1A0]  }
0x78: {  	v21 =	vld [tilespmem:s0+$0x180]  }
0x79: {  	v22 =	vld [tilespmem:s0+$0x1B0]  }
0x7a: {  	v23 =	vld [tilespmem:s0+$0x1C0]  }
0x7b: {  	v24 =	vld [tilespmem:s0+$0x1D0]  }
0x7c: {  	v25 =	vld [tilespmem:s0+$0x1E0]  }
0x7d: {  	v26 =	vld [tilespmem:s0+$0x1F0]  }
0x7e: {  	v27 =	vld [tilespmem:s0+$0x190]  }
0x7f: {  	v28 =	vld [tilespmem:s0+$0x590]  }
0x80: {  	v29 =	vld [tilespmem:s0+$0x5A0]  }
0x81: {  	v30 =	vld [tilespmem:s0+$0x5B0];
	v2 =	vadd.f32 v18, v2  }
0x82: {  	v62 =	vld [tilespmem:s0+$0x5D0];
	v15 =	vadd.f32 v20, v15;
	v17 =	vadd.f32 v21, v17  }
0x83: {  	v63 =	vld [tilespmem:s0+$0x5E0];
	v14 =	vadd.f32 v22, v14;
	v13 =	vadd.f32 v23, v13  }
0x84: {  	v12 =	vadd.f32 v24, v12;
	v11 =	vadd.f32 v25, v11  }
0x85: {  	p1 =	seq.s32 s21, s29;
	v10 =	vadd.f32 v26, v10;
	v9 =	vadd.f32 v19, v9  }
0x86: {  	v16 =	vadd.f32 v27, v16;
	v8 =	vadd.f32 v28, v8;
	v2 =	vpsel p1, v2, v18;
	v18 =	vld [tilespmem:s0+$0x5C0]  }
0x87: {  	v7 =	vadd.f32 v29, v7;
	v6 =	vadd.f32 v30, v6  }
0x88: {  	v4 =	vadd.f32 v62, v4;
	v3 =	vadd.f32 v63, v3;
	v15 =	vpsel p1, v15, v20  }
0x89: {  	v17 =	vpsel p1, v17, v21;
	v14 =	vpsel p1, v14, v22;
	v13 =	vpsel p1, v13, v23  }
0x8a: {  	v12 =	vpsel p1, v12, v24;
	v11 =	vpsel p1, v11, v25;
	v10 =	vpsel p1, v10, v26  }
0x8b: {  	v9 =	vpsel p1, v9, v19;
	v16 =	vpsel p1, v16, v27;
	v5 =	vadd.f32 v18, v5  }
0x8c: {  	v8 =	vpsel p1, v8, v28;
	v7 =	vpsel p1, v7, v29;
	v6 =	vpsel p1, v6, v30  }
0x8d: {  	s21 =	smov.u32 s29;
	v4 =	vpsel p1, v4, v62;
	v3 =	vpsel p1, v3, v63;
	v5 =	vpsel p1, v5, v18  }
.LBB2_9:
0x8e: {  	s20 =	sadd.s32 $0x1, s20  }
0x8f: {  	p1 =	sne.s32 s20, s17  }
.Ltmp5:
0x90: {  	_ = 	snop;
	(pc) =	sbr.rel @!p1 .LBB2_10-.Ltmp5, $2  }
0x91: {  	_ =	sdelay $0x2  }
0x92: {  	s18 =	sadd.s32 $0x4000, s18;
	s19 =	sadd.s32 $0x8000, s19  }
.LBB2_5:
0x93: {  	s22 =	sshll.u32 s20, $0x7  }
0x94: {  	s22 =	sadd.s32 s15, s22  }
0x95: {  	s23 =	sshra.s32 s22, $0x1F;
	p1 =	slt.s32 s22, $0x1  }
0x96: {  	s23 =	sshrl.u32 s23, $0x1D;
	p1 =	por !p0, !p1  }
0x97: {  	s24 =	simm.s32 $0x1;
	s23 =	sadd.s32 s23, s22;
	p1 =	por !p1, !p1  }
0x98: {  	s23 =	sshrl.u32 s23, $0x3;
	s24 =	simm.s32 @!p1 $0x0  }
0x99: {  	s23 =	ssub.s32 s23, s24  }
0x9a: {  	s23 =	sshll.u32 s23, $0x3  }
0x9b: {  	p1 =	slt.s32 s23, $0x4E178  }
0x9c: {  	s23 =	simm.s32 @!p1 $0x4E178  }
0x9d: {  	s30 =	sshll.u32 s23, $0x5  }
0x9e: {  	s24 =	sadd.s32 s5, s30  }
0x9f: {  	[tilespmem:s11], [sflag:$0x1] =	stream.linear.gather [hbm4b:s24+s4], $0x8800, $0x38;
	[tilespmem:$0x9980] =	vst v63  }
0xa0: {  	_ =	swait.ge [sflag:s10], $0x8800  }
0xa1: {  	s25 =	ssub.s32 s16, s22;
	s31 =	sshrl.u32 s23, $0x3;
	[sflag:s10] =	ssyncset.done $0x0  }
0xa2: {  	p1 =	slt.s32 s25, $0x80;
	s24 =	sadd.s32 s2, s31;
	[sflag:s10] =	ssyncadd.s32 $0xFFFF7800  }
0xa3: {  	[tilespmem:s12], [sflag:$0x1] =	stream.linear.gather [hbm4b:s24+s4], $0x88, $0x38;
	[tilespmem:$0x9980] =	vst v63  }
0xa4: {  	s25 =	simm.s32 @!p1 $0x80;
	s24 =	ssub.s32 s22, s23  }
0xa5: {  	s22 =	sadd.s32 s25, s24  }
0xa6: {  	p1 =	sge.s32 s24, s22  }
.Ltmp6:
0xa7: {  	_ = 	snop;
	(pc) =	sbr.rel @p1 .LBB2_9-.Ltmp6, $4  }
0xa8: {  	_ = 	snop  }
0xa9: {  	_ =	swait.ge [sflag:s10], $0x88  }
0xaa: {  	[sflag:s10] =	ssyncset.done $0x0  }
0xab: {  	[sflag:s10] =	ssyncadd.s32 $0xFFFFFF78  }
0xac: {  	s25 =	sand.u32 $0xF, s24  }
0xad: {  	s26 =	sshra.s32 s24, $0x1F;
	p1 =	slt.s32 s24, $0x1;
	p2 =	sne.s32 s25, $0x0  }
0xae: {  	s30 =	sshrl.u32 s26, $0x1C;
	p1 =	por !p1, !p2  }
0xaf: {  	s26 =	simm.s32 $0x1;
	s25 =	sadd.s32 s30, s24;
	p1 =	por !p1, !p1  }
0xb0: {  	s25 =	sshrl.u32 s25, $0x4;
	s26 =	simm.s32 @!p1 $0x0  }
0xb1: {  	s25 =	ssub.s32 s25, s26  }
0xb2: {  	s25 =	sshll.u32 s25, $0x4  }
0xb3: {  	v18 =	vld [tilespmem:s25+$0x80];
	_ =	sdelay $0x3  }
0xb4: {  	s25 =	ssub.s32 s24, s25  }
0xb5: {  	v19 =	vmov s25;
	v18 =	vcvt.s32.f32 v18  }
0xb6: {  	vm2 =	veq.s32 v19, v0  }
0xb7: {  	v18 =	vnsel vm2, $0x0, v18  }
0xb8: {  	(xrf2) =	vadd.scan.msk.f32 $0xffff, v18;
	_ =	sdelay $0x9  }
0xb9: {  	v18, _, _ =	vpop (xrf2)  }
0xba: {  	(v2sf) =	vpush v18, $0xF;
	_ =	sdelay $0xe  }
0xbb: {  	s0 =	spop (v2sf)  }
0xbc: {  	s29 =	scvt.f32.s32 s0  }
0xbd: {  	p1 =	slt.s32 s21, $0x0  }
0xbe: {  	p2 =	seq.s32 @!p1 s21, s29  }
0xbf: {  	p2 =	por p2, p1  }
0xc0: {  	s25 =	ssub.s32 @!p2 s21, s7  }
0xc1: {  	s26 =	sshll.u32 @!p2 s21, $0x7;
	s25 =	sshll.u32 @!p2 s25, $0x8  }
0xc2: {  	s26 =	sand.u32 @!p2 $0x380, s26;
	s25 =	sand.u32 @!p2 $0xFFFFF800, s25  }
0xc3: {  	s31 =	sor.u32 @!p2 s26, s25  }
0xc4: {  	[tilespmem:s31+$0x8DF0] =	vst @!p2 v2  }
0xc5: {  	s25 =	sadd.s32 $0x1, s24;
	[tilespmem:s31+$0x8DE0] =	vst @!p2 v3  }
0xc6: {  	[tilespmem:s31+$0x8DD0] =	vst @!p2 v4;
	p1 =	slt.s32 s25, s22  }
.Ltmp7:
0xc7: {  	[tilespmem:s31+$0x8DC0] =	vst @!p2 v5;
	(pc) =	sbr.rel @!p1 .LBB2_8-.Ltmp7, $4  }
0xc8: {  	[tilespmem:s31+$0x8DB0] =	vst @!p2 v6  }
0xc9: {  	s1 =	sshll.u32 s23, $0x7;
	s30 =	sshll.u32 s23, $0x8;
	[tilespmem:s31+$0x8DA0] =	vst @!p2 v7  }
0xca: {  	s28 =	ssub.s32 s19, s30;
	s26 =	ssub.s32 s18, s1;
	[tilespmem:s31+$0x8D90] =	vst @!p2 v8  }
0xcb: {  	s23 =	sand.u32 $0xFFFFF800, s28;
	s24 =	sand.u32 $0x380, s26;
	[tilespmem:s31+$0x8D80] =	vst @!p2 v9  }
.LBB2_7:
0xcc: {  	s26 =	sadd.s32 $0x80, s26  }
0xcd: {  	[tilespmem:s31+$0x89F0] =	vst @!p2 v10;
	s28 =	sadd.s32 $0x100, s28;
	s30 =	smov.u32 s25;
	s25 =	sadd.s32 $0x1, s25  }
0xce: {  	s1 =	sand.u32 $0xFFFFF800, s28;
	s0 =	sand.u32 $0x380, s26;
	p1 =	slt.s32 s25, s22;
	[tilespmem:s31+$0x89E0] =	vst @!p2 v11  }
0xcf: {  	[tilespmem:s31+$0x89D0] =	vst @!p2 v12  }
0xd0: {  	[tilespmem:s31+$0x89C0] =	vst @!p2 v13  }
0xd1: {  	[tilespmem:s31+$0x89B0] =	vst @!p2 v14  }
0xd2: {  	[tilespmem:s31+$0x89A0] =	vst @!p2 v15  }
0xd3: {  	[tilespmem:s31+$0x8980] =	vst @!p2 v17  }
0xd4: {  	[tilespmem:s31+$0x8990] =	vst @!p2 v16;
	s31 =	sor.u32 s24, s23;
	s23 =	smov.u32 s1;
	s24 =	smov.u32 s0  }
0xd5: {  	v18 =	vld [tilespmem:s31+$0x5F0]  }
0xd6: {  	v19 =	vld [tilespmem:s31+$0x580]  }
0xd7: {  	v20 =	vld [tilespmem:s31+$0x1A0]  }
0xd8: {  	v21 =	vld [tilespmem:s31+$0x180]  }
0xd9: {  	v22 =	vld [tilespmem:s31+$0x1B0]  }
0xda: {  	v23 =	vld [tilespmem:s31+$0x1C0];
	v2 =	vadd.f32 v18, v2  }
0xdb: {  	p2 =	seq.s32 s21, s29;
	s21 =	smov.u32 s29;
	v24 =	vld [tilespmem:s31+$0x1D0]  }
0xdc: {  	v25 =	vld [tilespmem:s31+$0x1E0];
	v15 =	vadd.f32 v20, v15;
	v2 =	vpsel p2, v2, v18  }
0xdd: {  	s0 =	sand.u32 $0xF, s30;
	v18 =	vld [tilespmem:s31+$0x1F0];
	v17 =	vadd.f32 v21, v17  }
0xde: {  	p3 =	slt.s32 s30, $0x1;
	s1 =	sshra.s32 s30, $0x1F;
	p4 =	sne.s32 s0, $0x0;
	v26 =	vld [tilespmem:s31+$0x190];
	v15 =	vpsel p2, v15, v20;
	v14 =	vadd.f32 v22, v14  }
0xdf: {  	s0 =	sshrl.u32 s1, $0x1C;
	p3 =	por !p3, !p4;
	v20 =	vld [tilespmem:s31+$0x590];
	v17 =	vpsel p2, v17, v21;
	v13 =	vadd.f32 v23, v13  }
0xe0: {  	s1 =	simm.s32 $0x1;
	s0 =	sadd.s32 s0, s30;
	p3 =	por !p3, !p3;
	v21 =	vld [tilespmem:s31+$0x5A0];
	v14 =	vpsel p2, v14, v22;
	v12 =	vadd.f32 v24, v12  }
0xe1: {  	s0 =	sshrl.u32 s0, $0x4;
	s1 =	simm.s32 @!p3 $0x0;
	v22 =	vld [tilespmem:s31+$0x5B0];
	v13 =	vpsel p2, v13, v23;
	v11 =	vadd.f32 v25, v11  }
0xe2: {  	s0 =	ssub.s32 s0, s1;
	v9 =	vadd.f32 v19, v9;
	v23 =	vld [tilespmem:s31+$0x5C0];
	v12 =	vpsel p2, v12, v24;
	v10 =	vadd.f32 v18, v10  }
0xe3: {  	s0 =	sshll.u32 s0, $0x4;
	v24 =	vld [tilespmem:s31+$0x5D0];
	v16 =	vadd.f32 v26, v16;
	v11 =	vpsel p2, v11, v25  }
0xe4: {  	v9 =	vpsel p2, v9, v19;
	v25 =	vld [tilespmem:s0+$0x80];
	s0 =	ssub.s32 s30, s0;
	v10 =	vpsel p2, v10, v18  }
0xe5: {  	v8 =	vadd.f32 v20, v8;
	v18 =	vmov s0;
	v19 =	vld [tilespmem:s31+$0x5E0]  }
0xe6: {  	v16 =	vpsel p2, v16, v26;
	v7 =	vadd.f32 v21, v7  }
0xe7: {  	v8 =	vpsel p2, v8, v20;
	v6 =	vadd.f32 v22, v6;
	v5 =	vadd.f32 v23, v5  }
0xe8: {  	v7 =	vpsel p2, v7, v21;
	v4 =	vadd.f32 v24, v4  }
0xe9: {  	v6 =	vpsel p2, v6, v22;
	v20 =	vcvt.s32.f32 v25;
	v5 =	vpsel p2, v5, v23  }
0xea: {  	vm2 =	veq.s32 v18, v0;
	v4 =	vpsel p2, v4, v24;
	v3 =	vadd.f32 v19, v3  }
0xeb: {  	v18 =	vnsel vm2, $0x0, v20  }
0xec: {  	(xrf2) =	vadd.scan.msk.f32 $0xffff, v18;
	v3 =	vpsel p2, v3, v19;
	_ =	sdelay $0x9  }
0xed: {  	v18, _, _ =	vpop (xrf2)  }
0xee: {  	(v2sf) =	vpush v18, $0xF;
	_ =	sdelay $0xe  }
0xef: {  	s0 =	spop (v2sf)  }
0xf0: {  	s29 =	scvt.f32.s32 s0  }
0xf1: {  	p2 =	slt.s32 s21, $0x0  }
0xf2: {  	p3 =	seq.s32 @!p2 s21, s29  }
0xf3: {  	p2 =	por p3, p2  }
0xf4: {  	s0 =	ssub.s32 @!p2 s21, s7;
	s1 =	sshll.u32 @!p2 s21, $0x7  }
0xf5: {  	s0 =	sshll.u32 @!p2 s0, $0x8;
	s1 =	sand.u32 @!p2 $0x380, s1  }
0xf6: {  	s0 =	sand.u32 @!p2 $0xFFFFF800, s0  }
0xf7: {  	s31 =	sor.u32 @!p2 s1, s0  }
0xf8: {  	[tilespmem:s31+$0x8DF0] =	vst @!p2 v2  }
0xf9: {  	[tilespmem:s31+$0x8DE0] =	vst @!p2 v3  }
0xfa: {  	[tilespmem:s31+$0x8DD0] =	vst @!p2 v4  }
.Ltmp8:
0xfb: {  	[tilespmem:s31+$0x8DC0] =	vst @!p2 v5;
	(pc) =	sbr.rel @p1 .LBB2_7-.Ltmp8, $4  }
0xfc: {  	[tilespmem:s31+$0x8DB0] =	vst @!p2 v6  }
0xfd: {  	[tilespmem:s31+$0x8DA0] =	vst @!p2 v7  }
0xfe: {  	[tilespmem:s31+$0x8D90] =	vst @!p2 v8  }
0xff: {  	[tilespmem:s31+$0x8D80] =	vst @!p2 v9  }
.Ltmp9:
0x100: {  	_ = 	snop;
	(pc) =	sbr.rel .LBB2_8-.Ltmp9, $1  }
0x101: {  	_ =	sdelay $0x3  }
.LBB2_12:
0x102: {  	_ =	sfence.sel $0x180000  }
0x103: {  	[bflag:$0x0] =	sbarrier.arrive $0xFFFF  }
0x104: {  	_ =	strace $0x90000047  }
0x105: {  	s0 =	stileid.u32;
	[bflag:$0x2] =	sbarrier.arrive $0xFFFF  }
0x106: {  	p0 =	sne.s32 s0, $0x0;
	s0 =	rddreg [dreg:$0x3]  }
0x107: {  	s0 =	sadd.s32 @!p0 $0x100000, s0  }
0x108: {  	[sflag:s0] =	ssyncadd.tile.s32 @!p0 $0x1;
	_ =	shalt  }
.Lfunc_end2:
_tile_overlayer_lowered:
.L_overlay_start_2:
0x109: {  	(tag) =	ssettag $0x2  }
0x10a: {  	s0 =	rddreg [dreg:$0x0];
	s2 =	stileid.u32  }
0x10b: {  	s1 =	rddreg [dreg:$0x1];
	p0 =	sne.s32 s2, $0x0  }
0x10c: {  	s3 =	rddreg [dreg:$0x2];
	[bflag:$0x3] =	sbarrier.arrive $0xFFFF;
	s2 =	simm.s32 @!p0 $0x1C01  }
0x10d: {  	[timem:s3], [sflag:s2] =	dma.local @!p0 [hbm:s0], s1  }
0x10e: {  	s0 =	simm.s32 @!p0 $0x1  }
0x10f: {  	_ =	swait.ge @!p0 [sflag:s0], s1  }
0x110: {  	s1 =	ssub.s32 @!p0 $0x0, s1;
	[sflag:s0] =	ssyncset.done @!p0 $0x0  }
0x111: {  	[sflag:s0] =	ssyncadd.s32 @!p0 s1  }
0x112: {  	[bflag:$0x3] =	sbarrier.arrive $0xFFFF  }
0x113: {  	_ =	shalt  }

</sc_bundles>
